<compile_context>
chip_gen: v7x
topology: tpu7x:2x2x1
jax: 0.10.2.dev20260603
libtpu: 0.0.44.dev20260713+nightly
codegen_flags: <defaults>
</compile_context>

<pallas_src>
import functools

import jax
import jax.numpy as jnp
from jax import lax
from jax.experimental import pallas as pl
from jax.experimental.pallas import tpu as pltpu
from jax.experimental.pallas import tpu_sc as plsc

VOCAB = 1000
N_EMBED = 128
T = 50
B = 1024
BH = B // 2
NTOKH = BH * T

_info = plsc.get_sparse_core_info()
NC, NS, L = _info.num_cores, _info.num_subcores, _info.num_lanes
NW = NC * NS
BPW = NTOKH // NW
CH = 80
NCH = BPW // CH

_sc_mesh = plsc.VectorSubcoreMesh(core_axis_name="c", subcore_axis_name="s")


@functools.partial(
    pl.kernel,
    mesh=_sc_mesh,
    out_type=jax.ShapeDtypeStruct((NTOKH, N_EMBED), jnp.float32),
    scratch_types=[
        pltpu.VMEM((BPW,), jnp.int32),
        pltpu.VMEM((CH, N_EMBED), jnp.float32),
        pltpu.VMEM((CH, N_EMBED), jnp.float32),
        pltpu.VMEM_SHARED((VOCAB, N_EMBED), jnp.float32),
        pltpu.SemaphoreType.DMA,
        pltpu.SemaphoreType.DMA,
    ],
)
def _sc_gather(idx_hbm, table_hbm, out_hbm, idx_v, rows_a, rows_b,
               table_sh, sem_a, sem_b):
    wid = lax.axis_index("s") * NC + lax.axis_index("c")
    base = wid * BPW

    @pl.when(lax.axis_index("s") == 0)
    def _():
        pltpu.sync_copy(table_hbm, table_sh)

    pltpu.sync_copy(idx_hbm.at[pl.ds(base, BPW)], idx_v)
    plsc.subcore_barrier()
    table_hbm = table_sh

    def two_chunks(j, carry):
        off_a = base + (2 * j) * CH
        off_b = base + (2 * j + 1) * CH
        ga = pltpu.async_copy(
            table_hbm.at[idx_v.at[pl.ds((2 * j) * CH, CH)]], rows_a, sem_a)
        gb = pltpu.async_copy(
            table_hbm.at[idx_v.at[pl.ds((2 * j + 1) * CH, CH)]], rows_b, sem_b)
        ga.wait()
        pltpu.sync_copy(rows_a, out_hbm.at[pl.ds(off_a, CH)])
        gb.wait()
        pltpu.sync_copy(rows_b, out_hbm.at[pl.ds(off_b, CH)])
        return carry

    lax.fori_loop(0, NCH // 2, two_chunks, 0)


BB = 32
TOK = BB * T
GRIDH = BH // BB


def _mm_body(x_ref, pos_ref, w_ref, b_ref, out_ref):
    x = x_ref[...] + pos_ref[...]
    y = jnp.dot(x, w_ref[...], preferred_element_type=jnp.float32) + b_ref[...]
    for r in range(BB):
        out_ref[r, :, :] = y[r * T:(r + 1) * T, :]


def _mm_body_alias(x_ref, pos_ref, w_ref, b_ref, prev_ref, out_ref):
    del prev_ref
    _mm_body(x_ref, pos_ref, w_ref, b_ref, out_ref)


def _mm_half(x, pos_tiled, W, b2, out_prev, shift):
    ins = [x, pos_tiled, W, b2]
    in_specs = [
        pl.BlockSpec((TOK, N_EMBED), lambda i: (i, 0)),
        pl.BlockSpec((TOK, N_EMBED), lambda i: (0, 0)),
        pl.BlockSpec((N_EMBED, VOCAB), lambda i: (0, 0)),
        pl.BlockSpec((1, VOCAB), lambda i: (0, 0)),
    ]
    kwargs = {}
    body = _mm_body
    if out_prev is not None:
        ins.append(out_prev)
        in_specs.append(pl.BlockSpec(memory_space=pltpu.MemorySpace.HBM))
        kwargs["input_output_aliases"] = {4: 0}
        body = _mm_body_alias
    return pl.pallas_call(
        body,
        grid=(GRIDH,),
        in_specs=in_specs,
        out_specs=pl.BlockSpec(
            (BB, T, VOCAB), lambda i, _s=shift: (i + _s, 0, 0)),
        out_shape=jax.ShapeDtypeStruct((B, T, VOCAB), jnp.float32),
        **kwargs,
    )(*ins)


def kernel(idx, tok_table, pos_table, W, b):
    idx_flat = idx.astype(jnp.int32).reshape(B * T)
    g0 = _sc_gather(idx_flat[:NTOKH], tok_table)
    g1 = _sc_gather(idx_flat[NTOKH:], tok_table)

    pos_tiled = jnp.tile(pos_table, (BB, 1))
    b2 = b.reshape(1, VOCAB)
    out0 = _mm_half(g0, pos_tiled, W, b2, None, 0)
    out = _mm_half(g1, pos_tiled, W, b2, out0, GRIDH)
    return out

# --- scband reference (transcript-rebuilt; emitter-appended) ---
"""Pipeline reference for scband-bigram-44367012167726 (READ-ONLY COPY).

The authoritative reference and input builder live on the scoring server;
editing this copy changes nothing except your own understanding.
"""

import jax, jax.numpy as jnp
import numpy as np

VOCAB = 1000
N_EMBED = 128
BLOCK = 50
B = 1024
T = 50

def setup_inputs(seed: int = 0) -> dict:
    key = jax.random.key(seed)
    k1, k2, k3, k4, k5 = jax.random.split(key, 5)
    idx = jax.random.randint(k1, (B, T), 0, VOCAB, dtype=jnp.int64) if jax.config.jax_enable_x64 else jax.random.randint(k1, (B, T), 0, VOCAB, dtype=jnp.int32)
    tok_table = jax.random.normal(k2, (VOCAB, N_EMBED), dtype=jnp.float32)
    pos_table = jax.random.normal(k3, (BLOCK, N_EMBED), dtype=jnp.float32)
    W = jax.random.normal(k4, (N_EMBED, VOCAB), dtype=jnp.float32) * (1.0 / np.sqrt(N_EMBED))
    b = jax.random.normal(k5, (VOCAB,), dtype=jnp.float32) * 0.01
    return {"idx": idx, "tok_table": tok_table, "pos_table": pos_table, "W": W, "b": b}

def reference(idx, tok_table, pos_table, W, b):
    Bb, Tt = idx.shape
    tok_emb = jnp.take(tok_table, idx, axis=0)          # [B, T, n_embed]
    pos_emb = jnp.take(pos_table, jnp.arange(Tt), axis=0)  # [T, n_embed]
    x = tok_emb + pos_emb[None, :, :]
    logits = jnp.einsum('btd,dv->btv', x, W) + b        # lm_head
    return logits

if __name__ == "__main__":
    import jax
    _d = setup_inputs()
    print(jax.jit(kernel)(*tuple(_d.values())))

</pallas_src>

<mosaic_0001>
#map = affine_map<(d0, d1) -> (0)>
#map1 = affine_map<(d0, d1) -> (0, 0)>
module attributes {stable_mosaic.version = 14 : i64} {
  func.func @_sc_gather(%arg0: i32, %arg1: i32, %arg2: memref<25600xi32, #tpu.memory_space<hbm>>, %arg3: memref<1000x128xf32, #tpu.memory_space<hbm>>, %arg4: memref<25600x128xf32, #tpu.memory_space<hbm>>, %arg5: memref<800xi32, #tpu.memory_space<vmem>>, %arg6: memref<80x128xf32, #tpu.memory_space<vmem>>, %arg7: memref<80x128xf32, #tpu.memory_space<vmem>>, %arg8: memref<1000x128xf32, #tpu.memory_space<vmem_shared>>, %arg9: memref<!tpu.dma_semaphore, #tpu.memory_space<semaphore_mem>>, %arg10: memref<!tpu.dma_semaphore, #tpu.memory_space<semaphore_mem>>) attributes {dimension_semantics = [#tpu.dimension_semantics<core_parallel>, #tpu.dimension_semantics<subcore_parallel>], iteration_bounds = array<i64: 2, 16>, scalar_prefetch = 0 : i64, scratch_operands = 6 : i64, tpu.core_type = #tpu.core_type<sc_vector_subcore>, window_params = [{transform_indices = #map}, {transform_indices = #map1}, {transform_indices = #map1}]} {
    %mul3A = arith.constant 2 : i32
    %mul3A_0 = arith.muli %arg1, %mul3A : i32
    %add3A = arith.addi %mul3A_0, %arg0 : i32
    %mul3A_1 = arith.constant 800 : i32
    %mul3A_2 = arith.muli %add3A, %mul3A_1 : i32
    %eq3A = arith.constant 0 : i32
    %eq3A_3 = arith.cmpi eq, %arg1, %eq3A : i32
    %convert_element_type3A = arith.extui %eq3A_3 : i1 to i32
    %cond3A = arith.constant 0 : i32
    %cond3A_4 = arith.cmpi ne, %convert_element_type3A, %cond3A : i32
    scf.if %cond3A_4 {
      "tpu.region"() ({
        %run_scoped3A = tpu.sem_alloc : memref<!tpu.dma_semaphore, #tpu.memory_space<semaphore_mem>>
        tpu.enqueue_dma source(%arg3 : memref<1000x128xf32, #tpu.memory_space<hbm>>) target(%arg8 : memref<1000x128xf32, #tpu.memory_space<vmem_shared>>) target_semaphore(%run_scoped3A : memref<!tpu.dma_semaphore, #tpu.memory_space<semaphore_mem>>)
        tpu.wait_dma2 semaphore(%run_scoped3A : memref<!tpu.dma_semaphore, #tpu.memory_space<semaphore_mem>>) src(%arg3 : memref<1000x128xf32, #tpu.memory_space<hbm>>) dst(%arg8 : memref<1000x128xf32, #tpu.memory_space<vmem_shared>>)
        tpu.yield
      }) : () -> ()
    } else {
    }
    "tpu.region"() ({
      %run_scoped3A = tpu.sem_alloc : memref<!tpu.dma_semaphore, #tpu.memory_space<semaphore_mem>>
      %dma_start3A = tpu.memref_slice %arg2[%mul3A_2] : memref<25600xi32, #tpu.memory_space<hbm>> -> memref<800xi32, #tpu.memory_space<hbm>>
      %dma_start3A_10 = tpu.memref_slice %arg2[%mul3A_2] : memref<25600xi32, #tpu.memory_space<hbm>> -> memref<800xi32, #tpu.memory_space<hbm>>
      tpu.enqueue_dma source(%dma_start3A_10 : memref<800xi32, #tpu.memory_space<hbm>>) target(%arg5 : memref<800xi32, #tpu.memory_space<vmem>>) target_semaphore(%run_scoped3A : memref<!tpu.dma_semaphore, #tpu.memory_space<semaphore_mem>>)
      %dma_wait3A = tpu.memref_slice %arg2[%mul3A_2] : memref<25600xi32, #tpu.memory_space<hbm>> -> memref<800xi32, #tpu.memory_space<hbm>>
      %dma_wait3A_11 = tpu.memref_slice %arg2[%mul3A_2] : memref<25600xi32, #tpu.memory_space<hbm>> -> memref<800xi32, #tpu.memory_space<hbm>>
      tpu.wait_dma2 semaphore(%run_scoped3A : memref<!tpu.dma_semaphore, #tpu.memory_space<semaphore_mem>>) src(%dma_wait3A_11 : memref<800xi32, #tpu.memory_space<hbm>>) dst(%arg5 : memref<800xi32, #tpu.memory_space<vmem>>)
      tpu.yield
    }) : () -> ()
    %barrier3A = arith.constant 0 : index
    tpu.barrier barrier_id(%barrier3A)
    %scan3A = arith.constant 0 : i32
    %scan3A_5 = arith.constant 0 : i32
    %scan3A_6 = arith.constant 5 : i32
    %scan3A_7 = arith.addi %scan3A_5, %scan3A_6 : i32
    %scan3A_8 = arith.constant 1 : i32
    scf.for %scan3A_10 = %scan3A_5 to %scan3A_7 step %scan3A_8  : i32 {
      %mul3A_11 = arith.constant 2 : i32
      %mul3A_12 = arith.muli %mul3A_11, %scan3A_10 : i32
      %mul3A_13 = arith.constant 80 : i32
      %mul3A_14 = arith.muli %mul3A_12, %mul3A_13 : i32
      %add3A_15 = arith.addi %mul3A_2, %mul3A_14 : i32
      %mul3A_16 = arith.constant 2 : i32
      %mul3A_17 = arith.muli %mul3A_16, %scan3A_10 : i32
      %add3A_18 = arith.constant 1 : i32
      %add3A_19 = arith.addi %mul3A_17, %add3A_18 : i32
      %mul3A_20 = arith.constant 80 : i32
      %mul3A_21 = arith.muli %add3A_19, %mul3A_20 : i32
      %add3A_22 = arith.addi %mul3A_2, %mul3A_21 : i32
      %mul3A_23 = arith.constant 2 : i32
      %mul3A_24 = arith.muli %mul3A_23, %scan3A_10 : i32
      %mul3A_25 = arith.constant 80 : i32
      %mul3A_26 = arith.muli %mul3A_24, %mul3A_25 : i32
      %dma_start3A = tpu.memref_slice %arg5[%mul3A_26] : memref<800xi32, #tpu.memory_space<vmem>> -> memref<80xi32, #tpu.memory_space<vmem>>
      %dma_start3A_27 = arith.constant 0 : i32
      %dma_start3A_28 = arith.constant 0 : i32
      %dma_start3A_29 = tpu.memref_slice %arg8[%dma_start3A_27, %dma_start3A_28] : memref<1000x128xf32, #tpu.memory_space<vmem_shared>> -> memref<1000x128xf32, #tpu.memory_space<vmem_shared>>
      tpu.enqueue_indirect_dma source(%dma_start3A_29 : memref<1000x128xf32, #tpu.memory_space<vmem_shared>>) target(%arg6 : memref<80x128xf32, #tpu.memory_space<vmem>>) offsets(%dma_start3A : memref<80xi32, #tpu.memory_space<vmem>>) semaphore(%arg9 : memref<!tpu.dma_semaphore, #tpu.memory_space<semaphore_mem>>)
      %mul3A_30 = arith.constant 2 : i32
      %mul3A_31 = arith.muli %mul3A_30, %scan3A_10 : i32
      %add3A_32 = arith.constant 1 : i32
      %add3A_33 = arith.addi %mul3A_31, %add3A_32 : i32
      %mul3A_34 = arith.constant 80 : i32
      %mul3A_35 = arith.muli %add3A_33, %mul3A_34 : i32
      %dma_start3A_36 = tpu.memref_slice %arg5[%mul3A_35] : memref<800xi32, #tpu.memory_space<vmem>> -> memref<80xi32, #tpu.memory_space<vmem>>
      %dma_start3A_37 = arith.constant 0 : i32
      %dma_start3A_38 = arith.constant 0 : i32
      %dma_start3A_39 = tpu.memref_slice %arg8[%dma_start3A_37, %dma_start3A_38] : memref<1000x128xf32, #tpu.memory_space<vmem_shared>> -> memref<1000x128xf32, #tpu.memory_space<vmem_shared>>
      tpu.enqueue_indirect_dma source(%dma_start3A_39 : memref<1000x128xf32, #tpu.memory_space<vmem_shared>>) target(%arg7 : memref<80x128xf32, #tpu.memory_space<vmem>>) offsets(%dma_start3A_36 : memref<80xi32, #tpu.memory_space<vmem>>) semaphore(%arg10 : memref<!tpu.dma_semaphore, #tpu.memory_space<semaphore_mem>>)
      %dma_wait3A = tpu.memref_slice %arg5[%mul3A_26] : memref<800xi32, #tpu.memory_space<vmem>> -> memref<80xi32, #tpu.memory_space<vmem>>
      %dma_wait3A_40 = arith.constant 0 : i32
      %dma_wait3A_41 = arith.constant 0 : i32
      %dma_wait3A_42 = tpu.memref_slice %arg8[%dma_wait3A_40, %dma_wait3A_41] : memref<1000x128xf32, #tpu.memory_space<vmem_shared>> -> memref<1000x128xf32, #tpu.memory_space<vmem_shared>>
      tpu.wait_indirect_dma semaphore(%arg9 : memref<!tpu.dma_semaphore, #tpu.memory_space<semaphore_mem>>) src(%dma_wait3A_42 : memref<1000x128xf32, #tpu.memory_space<vmem_shared>>) dst(%arg6 : memref<80x128xf32, #tpu.memory_space<vmem>>)
      "tpu.region"() ({
        %run_scoped3A = tpu.sem_alloc : memref<!tpu.dma_semaphore, #tpu.memory_space<semaphore_mem>>
        %dma_start3A_47 = arith.constant 0 : i32
        %dma_start3A_48 = tpu.memref_slice %arg4[%add3A_15, %dma_start3A_47] : memref<25600x128xf32, #tpu.memory_space<hbm>> -> memref<80x128xf32, #tpu.memory_space<hbm>>
        %dma_start3A_49 = arith.constant 0 : i32
        %dma_start3A_50 = tpu.memref_slice %arg4[%add3A_15, %dma_start3A_49] : memref<25600x128xf32, #tpu.memory_space<hbm>> -> memref<80x128xf32, #tpu.memory_space<hbm>>
        tpu.enqueue_dma source(%arg6 : memref<80x128xf32, #tpu.memory_space<vmem>>) target(%dma_start3A_50 : memref<80x128xf32, #tpu.memory_space<hbm>>) target_semaphore(%run_scoped3A : memref<!tpu.dma_semaphore, #tpu.memory_space<semaphore_mem>>)
        %dma_wait3A_51 = arith.constant 0 : i32
        %dma_wait3A_52 = tpu.memref_slice %arg4[%add3A_15, %dma_wait3A_51] : memref<25600x128xf32, #tpu.memory_space<hbm>> -> memref<80x128xf32, #tpu.memory_space<hbm>>
        %dma_wait3A_53 = arith.constant 0 : i32
        %dma_wait3A_54 = tpu.memref_slice %arg4[%add3A_15, %dma_wait3A_53] : memref<25600x128xf32, #tpu.memory_space<hbm>> -> memref<80x128xf32, #tpu.memory_space<hbm>>
        tpu.wait_dma2 semaphore(%run_scoped3A : memref<!tpu.dma_semaphore, #tpu.memory_space<semaphore_mem>>) src(%arg6 : memref<80x128xf32, #tpu.memory_space<vmem>>) dst(%dma_wait3A_54 : memref<80x128xf32, #tpu.memory_space<hbm>>)
        tpu.yield
      }) : () -> ()
      %dma_wait3A_43 = tpu.memref_slice %arg5[%mul3A_35] : memref<800xi32, #tpu.memory_space<vmem>> -> memref<80xi32, #tpu.memory_space<vmem>>
      %dma_wait3A_44 = arith.constant 0 : i32
      %dma_wait3A_45 = arith.constant 0 : i32
      %dma_wait3A_46 = tpu.memref_slice %arg8[%dma_wait3A_44, %dma_wait3A_45] : memref<1000x128xf32, #tpu.memory_space<vmem_shared>> -> memref<1000x128xf32, #tpu.memory_space<vmem_shared>>
      tpu.wait_indirect_dma semaphore(%arg10 : memref<!tpu.dma_semaphore, #tpu.memory_space<semaphore_mem>>) src(%dma_wait3A_46 : memref<1000x128xf32, #tpu.memory_space<vmem_shared>>) dst(%arg7 : memref<80x128xf32, #tpu.memory_space<vmem>>)
      "tpu.region"() ({
        %run_scoped3A = tpu.sem_alloc : memref<!tpu.dma_semaphore, #tpu.memory_space<semaphore_mem>>
        %dma_start3A_47 = arith.constant 0 : i32
        %dma_start3A_48 = tpu.memref_slice %arg4[%add3A_22, %dma_start3A_47] : memref<25600x128xf32, #tpu.memory_space<hbm>> -> memref<80x128xf32, #tpu.memory_space<hbm>>
        %dma_start3A_49 = arith.constant 0 : i32
        %dma_start3A_50 = tpu.memref_slice %arg4[%add3A_22, %dma_start3A_49] : memref<25600x128xf32, #tpu.memory_space<hbm>> -> memref<80x128xf32, #tpu.memory_space<hbm>>
        tpu.enqueue_dma source(%arg7 : memref<80x128xf32, #tpu.memory_space<vmem>>) target(%dma_start3A_50 : memref<80x128xf32, #tpu.memory_space<hbm>>) target_semaphore(%run_scoped3A : memref<!tpu.dma_semaphore, #tpu.memory_space<semaphore_mem>>)
        %dma_wait3A_51 = arith.constant 0 : i32
        %dma_wait3A_52 = tpu.memref_slice %arg4[%add3A_22, %dma_wait3A_51] : memref<25600x128xf32, #tpu.memory_space<hbm>> -> memref<80x128xf32, #tpu.memory_space<hbm>>
        %dma_wait3A_53 = arith.constant 0 : i32
        %dma_wait3A_54 = tpu.memref_slice %arg4[%add3A_22, %dma_wait3A_53] : memref<25600x128xf32, #tpu.memory_space<hbm>> -> memref<80x128xf32, #tpu.memory_space<hbm>>
        tpu.wait_dma2 semaphore(%run_scoped3A : memref<!tpu.dma_semaphore, #tpu.memory_space<semaphore_mem>>) src(%arg7 : memref<80x128xf32, #tpu.memory_space<vmem>>) dst(%dma_wait3A_54 : memref<80x128xf32, #tpu.memory_space<hbm>>)
        tpu.yield
      }) : () -> ()
    }
    %scan3A_9 = arith.constant 5 : i32
    return
  }
}

#map = affine_map<(d0, d1) -> (0)>
#map1 = affine_map<(d0, d1) -> (0, 0)>
module attributes {stable_mosaic.version = 14 : i64} {
  func.func @_sc_gather(%arg0: i32, %arg1: i32, %arg2: memref<25600xi32, #tpu.memory_space<hbm>>, %arg3: memref<1000x128xf32, #tpu.memory_space<hbm>>, %arg4: memref<25600x128xf32, #tpu.memory_space<hbm>>, %arg5: memref<800xi32, #tpu.memory_space<vmem>>, %arg6: memref<80x128xf32, #tpu.memory_space<vmem>>, %arg7: memref<80x128xf32, #tpu.memory_space<vmem>>, %arg8: memref<1000x128xf32, #tpu.memory_space<vmem_shared>>, %arg9: memref<!tpu.dma_semaphore, #tpu.memory_space<semaphore_mem>>, %arg10: memref<!tpu.dma_semaphore, #tpu.memory_space<semaphore_mem>>) attributes {dimension_semantics = [#tpu.dimension_semantics<core_parallel>, #tpu.dimension_semantics<subcore_parallel>], iteration_bounds = array<i64: 2, 16>, scalar_prefetch = 0 : i64, scratch_operands = 6 : i64, tpu.core_type = #tpu.core_type<sc_vector_subcore>, window_params = [{transform_indices = #map}, {transform_indices = #map1}, {transform_indices = #map1}]} {
    %mul3A = arith.constant 2 : i32
    %mul3A_0 = arith.muli %arg1, %mul3A : i32
    %add3A = arith.addi %mul3A_0, %arg0 : i32
    %mul3A_1 = arith.constant 800 : i32
    %mul3A_2 = arith.muli %add3A, %mul3A_1 : i32
    %eq3A = arith.constant 0 : i32
    %eq3A_3 = arith.cmpi eq, %arg1, %eq3A : i32
    %convert_element_type3A = arith.extui %eq3A_3 : i1 to i32
    %cond3A = arith.constant 0 : i32
    %cond3A_4 = arith.cmpi ne, %convert_element_type3A, %cond3A : i32
    scf.if %cond3A_4 {
      "tpu.region"() ({
        %run_scoped3A = tpu.sem_alloc : memref<!tpu.dma_semaphore, #tpu.memory_space<semaphore_mem>>
        tpu.enqueue_dma source(%arg3 : memref<1000x128xf32, #tpu.memory_space<hbm>>) target(%arg8 : memref<1000x128xf32, #tpu.memory_space<vmem_shared>>) target_semaphore(%run_scoped3A : memref<!tpu.dma_semaphore, #tpu.memory_space<semaphore_mem>>)
        tpu.wait_dma2 semaphore(%run_scoped3A : memref<!tpu.dma_semaphore, #tpu.memory_space<semaphore_mem>>) src(%arg3 : memref<1000x128xf32, #tpu.memory_space<hbm>>) dst(%arg8 : memref<1000x128xf32, #tpu.memory_space<vmem_shared>>)
        tpu.yield
      }) : () -> ()
    } else {
    }
    "tpu.region"() ({
      %run_scoped3A = tpu.sem_alloc : memref<!tpu.dma_semaphore, #tpu.memory_space<semaphore_mem>>
      %dma_start3A = tpu.memref_slice %arg2[%mul3A_2] : memref<25600xi32, #tpu.memory_space<hbm>> -> memref<800xi32, #tpu.memory_space<hbm>>
      %dma_start3A_10 = tpu.memref_slice %arg2[%mul3A_2] : memref<25600xi32, #tpu.memory_space<hbm>> -> memref<800xi32, #tpu.memory_space<hbm>>
      tpu.enqueue_dma source(%dma_start3A_10 : memref<800xi32, #tpu.memory_space<hbm>>) target(%arg5 : memref<800xi32, #tpu.memory_space<vmem>>) target_semaphore(%run_scoped3A : memref<!tpu.dma_semaphore, #tpu.memory_space<semaphore_mem>>)
      %dma_wait3A = tpu.memref_slice %arg2[%mul3A_2] : memref<25600xi32, #tpu.memory_space<hbm>> -> memref<800xi32, #tpu.memory_space<hbm>>
      %dma_wait3A_11 = tpu.memref_slice %arg2[%mul3A_2] : memref<25600xi32, #tpu.memory_space<hbm>> -> memref<800xi32, #tpu.memory_space<hbm>>
      tpu.wait_dma2 semaphore(%run_scoped3A : memref<!tpu.dma_semaphore, #tpu.memory_space<semaphore_mem>>) src(%dma_wait3A_11 : memref<800xi32, #tpu.memory_space<hbm>>) dst(%arg5 : memref<800xi32, #tpu.memory_space<vmem>>)
      tpu.yield
    }) : () -> ()
    %barrier3A = arith.constant 0 : index
    tpu.barrier barrier_id(%barrier3A)
    %scan3A = arith.constant 0 : i32
    %scan3A_5 = arith.constant 0 : i32
    %scan3A_6 = arith.constant 5 : i32
    %scan3A_7 = arith.addi %scan3A_5, %scan3A_6 : i32
    %scan3A_8 = arith.constant 1 : i32
    scf.for %scan3A_10 = %scan3A_5 to %scan3A_7 step %scan3A_8  : i32 {
      %mul3A_11 = arith.constant 2 : i32
      %mul3A_12 = arith.muli %mul3A_11, %scan3A_10 : i32
      %mul3A_13 = arith.constant 80 : i32
      %mul3A_14 = arith.muli %mul3A_12, %mul3A_13 : i32
      %add3A_15 = arith.addi %mul3A_2, %mul3A_14 : i32
      %mul3A_16 = arith.constant 2 : i32
      %mul3A_17 = arith.muli %mul3A_16, %scan3A_10 : i32
      %add3A_18 = arith.constant 1 : i32
      %add3A_19 = arith.addi %mul3A_17, %add3A_18 : i32
      %mul3A_20 = arith.constant 80 : i32
      %mul3A_21 = arith.muli %add3A_19, %mul3A_20 : i32
      %add3A_22 = arith.addi %mul3A_2, %mul3A_21 : i32
      %mul3A_23 = arith.constant 2 : i32
      %mul3A_24 = arith.muli %mul3A_23, %scan3A_10 : i32
      %mul3A_25 = arith.constant 80 : i32
      %mul3A_26 = arith.muli %mul3A_24, %mul3A_25 : i32
      %dma_start3A = tpu.memref_slice %arg5[%mul3A_26] : memref<800xi32, #tpu.memory_space<vmem>> -> memref<80xi32, #tpu.memory_space<vmem>>
      %dma_start3A_27 = arith.constant 0 : i32
      %dma_start3A_28 = arith.constant 0 : i32
      %dma_start3A_29 = tpu.memref_slice %arg8[%dma_start3A_27, %dma_start3A_28] : memref<1000x128xf32, #tpu.memory_space<vmem_shared>> -> memref<1000x128xf32, #tpu.memory_space<vmem_shared>>
      tpu.enqueue_indirect_dma source(%dma_start3A_29 : memref<1000x128xf32, #tpu.memory_space<vmem_shared>>) target(%arg6 : memref<80x128xf32, #tpu.memory_space<vmem>>) offsets(%dma_start3A : memref<80xi32, #tpu.memory_space<vmem>>) semaphore(%arg9 : memref<!tpu.dma_semaphore, #tpu.memory_space<semaphore_mem>>)
      %mul3A_30 = arith.constant 2 : i32
      %mul3A_31 = arith.muli %mul3A_30, %scan3A_10 : i32
      %add3A_32 = arith.constant 1 : i32
      %add3A_33 = arith.addi %mul3A_31, %add3A_32 : i32
      %mul3A_34 = arith.constant 80 : i32
      %mul3A_35 = arith.muli %add3A_33, %mul3A_34 : i32
      %dma_start3A_36 = tpu.memref_slice %arg5[%mul3A_35] : memref<800xi32, #tpu.memory_space<vmem>> -> memref<80xi32, #tpu.memory_space<vmem>>
      %dma_start3A_37 = arith.constant 0 : i32
      %dma_start3A_38 = arith.constant 0 : i32
      %dma_start3A_39 = tpu.memref_slice %arg8[%dma_start3A_37, %dma_start3A_38] : memref<1000x128xf32, #tpu.memory_space<vmem_shared>> -> memref<1000x128xf32, #tpu.memory_space<vmem_shared>>
      tpu.enqueue_indirect_dma source(%dma_start3A_39 : memref<1000x128xf32, #tpu.memory_space<vmem_shared>>) target(%arg7 : memref<80x128xf32, #tpu.memory_space<vmem>>) offsets(%dma_start3A_36 : memref<80xi32, #tpu.memory_space<vmem>>) semaphore(%arg10 : memref<!tpu.dma_semaphore, #tpu.memory_space<semaphore_mem>>)
      %dma_wait3A = tpu.memref_slice %arg5[%mul3A_26] : memref<800xi32, #tpu.memory_space<vmem>> -> memref<80xi32, #tpu.memory_space<vmem>>
      %dma_wait3A_40 = arith.constant 0 : i32
      %dma_wait3A_41 = arith.constant 0 : i32
      %dma_wait3A_42 = tpu.memref_slice %arg8[%dma_wait3A_40, %dma_wait3A_41] : memref<1000x128xf32, #tpu.memory_space<vmem_shared>> -> memref<1000x128xf32, #tpu.memory_space<vmem_shared>>
      tpu.wait_indirect_dma semaphore(%arg9 : memref<!tpu.dma_semaphore, #tpu.memory_space<semaphore_mem>>) src(%dma_wait3A_42 : memref<1000x128xf32, #tpu.memory_space<vmem_shared>>) dst(%arg6 : memref<80x128xf32, #tpu.memory_space<vmem>>)
      "tpu.region"() ({
        %run_scoped3A = tpu.sem_alloc : memref<!tpu.dma_semaphore, #tpu.memory_space<semaphore_mem>>
        %dma_start3A_47 = arith.constant 0 : i32
        %dma_start3A_48 = tpu.memref_slice %arg4[%add3A_15, %dma_start3A_47] : memref<25600x128xf32, #tpu.memory_space<hbm>> -> memref<80x128xf32, #tpu.memory_space<hbm>>
        %dma_start3A_49 = arith.constant 0 : i32
        %dma_start3A_50 = tpu.memref_slice %arg4[%add3A_15, %dma_start3A_49] : memref<25600x128xf32, #tpu.memory_space<hbm>> -> memref<80x128xf32, #tpu.memory_space<hbm>>
        tpu.enqueue_dma source(%arg6 : memref<80x128xf32, #tpu.memory_space<vmem>>) target(%dma_start3A_50 : memref<80x128xf32, #tpu.memory_space<hbm>>) target_semaphore(%run_scoped3A : memref<!tpu.dma_semaphore, #tpu.memory_space<semaphore_mem>>)
        %dma_wait3A_51 = arith.constant 0 : i32
        %dma_wait3A_52 = tpu.memref_slice %arg4[%add3A_15, %dma_wait3A_51] : memref<25600x128xf32, #tpu.memory_space<hbm>> -> memref<80x128xf32, #tpu.memory_space<hbm>>
        %dma_wait3A_53 = arith.constant 0 : i32
        %dma_wait3A_54 = tpu.memref_slice %arg4[%add3A_15, %dma_wait3A_53] : memref<25600x128xf32, #tpu.memory_space<hbm>> -> memref<80x128xf32, #tpu.memory_space<hbm>>
        tpu.wait_dma2 semaphore(%run_scoped3A : memref<!tpu.dma_semaphore, #tpu.memory_space<semaphore_mem>>) src(%arg6 : memref<80x128xf32, #tpu.memory_space<vmem>>) dst(%dma_wait3A_54 : memref<80x128xf32, #tpu.memory_space<hbm>>)
        tpu.yield
      }) : () -> ()
      %dma_wait3A_43 = tpu.memref_slice %arg5[%mul3A_35] : memref<800xi32, #tpu.memory_space<vmem>> -> memref<80xi32, #tpu.memory_space<vmem>>
      %dma_wait3A_44 = arith.constant 0 : i32
      %dma_wait3A_45 = arith.constant 0 : i32
      %dma_wait3A_46 = tpu.memref_slice %arg8[%dma_wait3A_44, %dma_wait3A_45] : memref<1000x128xf32, #tpu.memory_space<vmem_shared>> -> memref<1000x128xf32, #tpu.memory_space<vmem_shared>>
      tpu.wait_indirect_dma semaphore(%arg10 : memref<!tpu.dma_semaphore, #tpu.memory_space<semaphore_mem>>) src(%dma_wait3A_46 : memref<1000x128xf32, #tpu.memory_space<vmem_shared>>) dst(%arg7 : memref<80x128xf32, #tpu.memory_space<vmem>>)
      "tpu.region"() ({
        %run_scoped3A = tpu.sem_alloc : memref<!tpu.dma_semaphore, #tpu.memory_space<semaphore_mem>>
        %dma_start3A_47 = arith.constant 0 : i32
        %dma_start3A_48 = tpu.memref_slice %arg4[%add3A_22, %dma_start3A_47] : memref<25600x128xf32, #tpu.memory_space<hbm>> -> memref<80x128xf32, #tpu.memory_space<hbm>>
        %dma_start3A_49 = arith.constant 0 : i32
        %dma_start3A_50 = tpu.memref_slice %arg4[%add3A_22, %dma_start3A_49] : memref<25600x128xf32, #tpu.memory_space<hbm>> -> memref<80x128xf32, #tpu.memory_space<hbm>>
        tpu.enqueue_dma source(%arg7 : memref<80x128xf32, #tpu.memory_space<vmem>>) target(%dma_start3A_50 : memref<80x128xf32, #tpu.memory_space<hbm>>) target_semaphore(%run_scoped3A : memref<!tpu.dma_semaphore, #tpu.memory_space<semaphore_mem>>)
        %dma_wait3A_51 = arith.constant 0 : i32
        %dma_wait3A_52 = tpu.memref_slice %arg4[%add3A_22, %dma_wait3A_51] : memref<25600x128xf32, #tpu.memory_space<hbm>> -> memref<80x128xf32, #tpu.memory_space<hbm>>
        %dma_wait3A_53 = arith.constant 0 : i32
        %dma_wait3A_54 = tpu.memref_slice %arg4[%add3A_22, %dma_wait3A_53] : memref<25600x128xf32, #tpu.memory_space<hbm>> -> memref<80x128xf32, #tpu.memory_space<hbm>>
        tpu.wait_dma2 semaphore(%run_scoped3A : memref<!tpu.dma_semaphore, #tpu.memory_space<semaphore_mem>>) src(%arg7 : memref<80x128xf32, #tpu.memory_space<vmem>>) dst(%dma_wait3A_54 : memref<80x128xf32, #tpu.memory_space<hbm>>)
        tpu.yield
      }) : () -> ()
    }
    %scan3A_9 = arith.constant 5 : i32
    return
  }
}

module attributes {stable_mosaic.version = 14 : i64} {
  func.func @_mm_body(%arg0: i32, %arg1: memref<1600x128xf32, #tpu.memory_space<vmem>>, %arg2: memref<1600x128xf32, #tpu.memory_space<vmem>>, %arg3: memref<128x1000xf32, #tpu.memory_space<vmem>>, %arg4: memref<1x1000xf32, #tpu.memory_space<vmem>>, %arg5: memref<32x50x1000xf32, #tpu.memory_space<vmem>>) attributes {dimension_semantics = [#tpu.dimension_semantics<arbitrary>], iteration_bounds = array<i64: 16>, scalar_prefetch = 0 : i64, scratch_operands = 0 : i64, tpu.core_type = #tpu.core_type<tc>, window_params = [{transform_indices = @transform_0, window_bounds = array<i64: 1600, 128>}, {pipeline_mode = #tpu.pipeline_mode<synchronous>, transform_indices = @transform_1, window_bounds = array<i64: 1600, 128>}, {pipeline_mode = #tpu.pipeline_mode<synchronous>, transform_indices = @transform_2, window_bounds = array<i64: 128, 1000>}, {pipeline_mode = #tpu.pipeline_mode<synchronous>, transform_indices = @transform_3, window_bounds = array<i64: 1, 1000>}, {transform_indices = @transform_4, window_bounds = array<i64: 32, 50, 1000>}]} {
    %get3A = arith.constant 0 : index
    %get3A_0 = arith.constant 0 : index
    %get3A_1 = vector.load %arg1[%get3A, %get3A_0] : memref<1600x128xf32, #tpu.memory_space<vmem>>, vector<1600x128xf32>
    %get3A_2 = arith.constant 0 : index
    %get3A_3 = arith.constant 0 : index
    %get3A_4 = vector.load %arg2[%get3A_2, %get3A_3] : memref<1600x128xf32, #tpu.memory_space<vmem>>, vector<1600x128xf32>
    %add3A = arith.addf %get3A_1, %get3A_4 : vector<1600x128xf32>
    %get3A_5 = arith.constant 0 : index
    %get3A_6 = arith.constant 0 : index
    %get3A_7 = vector.load %arg3[%get3A_5, %get3A_6] : memref<128x1000xf32, #tpu.memory_space<vmem>>, vector<128x1000xf32>
    %dot_general3A = arith.constant dense<0.000000e+00> : vector<1600x1000xf32>
    %dot_general3A_8 = tpu.matmul %add3A, %get3A_7, %dot_general3A {dimension_numbers = #tpu.dot_dimension_numbers<[1], [0], [0], [1], [0, 0, 1, 1], [], []>, transpose_lhs_hint = false} : vector<1600x128xf32>, vector<128x1000xf32>, vector<1600x1000xf32> -> vector<1600x1000xf32>
    %get3A_9 = arith.constant 0 : index
    %get3A_10 = arith.constant 0 : index
    %get3A_11 = vector.load %arg4[%get3A_9, %get3A_10] : memref<1x1000xf32, #tpu.memory_space<vmem>>, vector<1x1000xf32>
    %add3A_12 = vector.broadcast %get3A_11 : vector<1x1000xf32> to vector<1600x1000xf32>
    %add3A_13 = arith.addf %dot_general3A_8, %add3A_12 : vector<1600x1000xf32>
    %slice3A = vector.extract_strided_slice %add3A_13 {offsets = [0, 0], sizes = [50, 1000], strides = [1, 1]} : vector<1600x1000xf32> to vector<50x1000xf32>
    %swap3A = arith.constant 0 : index
    %swap3A_14 = arith.constant 0 : index
    %swap3A_15 = arith.constant 0 : index
    %swap3A_16 = vector.load %arg5[%swap3A, %swap3A_14, %swap3A_15] : memref<32x50x1000xf32, #tpu.memory_space<vmem>>, vector<1x50x1000xf32>
    %swap3A_17 = vector.shape_cast %swap3A_16 : vector<1x50x1000xf32> to vector<50x1000xf32>
    %swap3A_18 = vector.shape_cast %slice3A : vector<50x1000xf32> to vector<1x50x1000xf32>
    tpu.vector_store %arg5[%swap3A, %swap3A_14, %swap3A_15], %swap3A_18 {strides = array<i32>} : memref<32x50x1000xf32, #tpu.memory_space<vmem>>, vector<1x50x1000xf32>,
    %slice3A_19 = vector.extract_strided_slice %add3A_13 {offsets = [50, 0], sizes = [50, 1000], strides = [1, 1]} : vector<1600x1000xf32> to vector<50x1000xf32>
    %swap3A_20 = arith.constant 1 : index
    %swap3A_21 = arith.constant 0 : index
    %swap3A_22 = arith.constant 0 : index
    %swap3A_23 = vector.load %arg5[%swap3A_20, %swap3A_21, %swap3A_22] : memref<32x50x1000xf32, #tpu.memory_space<vmem>>, vector<1x50x1000xf32>
    %swap3A_24 = vector.shape_cast %swap3A_23 : vector<1x50x1000xf32> to vector<50x1000xf32>
    %swap3A_25 = vector.shape_cast %slice3A_19 : vector<50x1000xf32> to vector<1x50x1000xf32>
    tpu.vector_store %arg5[%swap3A_20, %swap3A_21, %swap3A_22], %swap3A_25 {strides = array<i32>} : memref<32x50x1000xf32, #tpu.memory_space<vmem>>, vector<1x50x1000xf32>,
    %slice3A_26 = vector.extract_strided_slice %add3A_13 {offsets = [100, 0], sizes = [50, 1000], strides = [1, 1]} : vector<1600x1000xf32> to vector<50x1000xf32>
    %swap3A_27 = arith.constant 2 : index
    %swap3A_28 = arith.constant 0 : index
    %swap3A_29 = arith.constant 0 : index
    %swap3A_30 = vector.load %arg5[%swap3A_27, %swap3A_28, %swap3A_29] : memref<32x50x1000xf32, #tpu.memory_space<vmem>>, vector<1x50x1000xf32>
    %swap3A_31 = vector.shape_cast %swap3A_30 : vector<1x50x1000xf32> to vector<50x1000xf32>
    %swap3A_32 = vector.shape_cast %slice3A_26 : vector<50x1000xf32> to vector<1x50x1000xf32>
    tpu.vector_store %arg5[%swap3A_27, %swap3A_28, %swap3A_29], %swap3A_32 {strides = array<i32>} : memref<32x50x1000xf32, #tpu.memory_space<vmem>>, vector<1x50x1000xf32>,
    %slice3A_33 = vector.extract_strided_slice %add3A_13 {offsets = [150, 0], sizes = [50, 1000], strides = [1, 1]} : vector<1600x1000xf32> to vector<50x1000xf32>
    %swap3A_34 = arith.constant 3 : index
    %swap3A_35 = arith.constant 0 : index
    %swap3A_36 = arith.constant 0 : index
    %swap3A_37 = vector.load %arg5[%swap3A_34, %swap3A_35, %swap3A_36] : memref<32x50x1000xf32, #tpu.memory_space<vmem>>, vector<1x50x1000xf32>
    %swap3A_38 = vector.shape_cast %swap3A_37 : vector<1x50x1000xf32> to vector<50x1000xf32>
    %swap3A_39 = vector.shape_cast %slice3A_33 : vector<50x1000xf32> to vector<1x50x1000xf32>
    tpu.vector_store %arg5[%swap3A_34, %swap3A_35, %swap3A_36], %swap3A_39 {strides = array<i32>} : memref<32x50x1000xf32, #tpu.memory_space<vmem>>, vector<1x50x1000xf32>,
    %slice3A_40 = vector.extract_strided_slice %add3A_13 {offsets = [200, 0], sizes = [50, 1000], strides = [1, 1]} : vector<1600x1000xf32> to vector<50x1000xf32>
    %swap3A_41 = arith.constant 4 : index
    %swap3A_42 = arith.constant 0 : index
    %swap3A_43 = arith.constant 0 : index
    %swap3A_44 = vector.load %arg5[%swap3A_41, %swap3A_42, %swap3A_43] : memref<32x50x1000xf32, #tpu.memory_space<vmem>>, vector<1x50x1000xf32>
    %swap3A_45 = vector.shape_cast %swap3A_44 : vector<1x50x1000xf32> to vector<50x1000xf32>
    %swap3A_46 = vector.shape_cast %slice3A_40 : vector<50x1000xf32> to vector<1x50x1000xf32>
    tpu.vector_store %arg5[%swap3A_41, %swap3A_42, %swap3A_43], %swap3A_46 {strides = array<i32>} : memref<32x50x1000xf32, #tpu.memory_space<vmem>>, vector<1x50x1000xf32>,
    %slice3A_47 = vector.extract_strided_slice %add3A_13 {offsets = [250, 0], sizes = [50, 1000], strides = [1, 1]} : vector<1600x1000xf32> to vector<50x1000xf32>
    %swap3A_48 = arith.constant 5 : index
    %swap3A_49 = arith.constant 0 : index
    %swap3A_50 = arith.constant 0 : index
    %swap3A_51 = vector.load %arg5[%swap3A_48, %swap3A_49, %swap3A_50] : memref<32x50x1000xf32, #tpu.memory_space<vmem>>, vector<1x50x1000xf32>
    %swap3A_52 = vector.shape_cast %swap3A_51 : vector<1x50x1000xf32> to vector<50x1000xf32>
    %swap3A_53 = vector.shape_cast %slice3A_47 : vector<50x1000xf32> to vector<1x50x1000xf32>
    tpu.vector_store %arg5[%swap3A_48, %swap3A_49, %swap3A_50], %swap3A_53 {strides = array<i32>} : memref<32x50x1000xf32, #tpu.memory_space<vmem>>, vector<1x50x1000xf32>,
    %slice3A_54 = vector.extract_strided_slice %add3A_13 {offsets = [300, 0], sizes = [50, 1000], strides = [1, 1]} : vector<1600x1000xf32> to vector<50x1000xf32>
    %swap3A_55 = arith.constant 6 : index
    %swap3A_56 = arith.constant 0 : index
    %swap3A_57 = arith.constant 0 : index
    %swap3A_58 = vector.load %arg5[%swap3A_55, %swap3A_56, %swap3A_57] : memref<32x50x1000xf32, #tpu.memory_space<vmem>>, vector<1x50x1000xf32>
    %swap3A_59 = vector.shape_cast %swap3A_58 : vector<1x50x1000xf32> to vector<50x1000xf32>
    %swap3A_60 = vector.shape_cast %slice3A_54 : vector<50x1000xf32> to vector<1x50x1000xf32>
    tpu.vector_store %arg5[%swap3A_55, %swap3A_56, %swap3A_57], %swap3A_60 {strides = array<i32>} : memref<32x50x1000xf32, #tpu.memory_space<vmem>>, vector<1x50x1000xf32>,
    %slice3A_61 = vector.extract_strided_slice %add3A_13 {offsets = [350, 0], sizes = [50, 1000], strides = [1, 1]} : vector<1600x1000xf32> to vector<50x1000xf32>
    %swap3A_62 = arith.constant 7 : index
    %swap3A_63 = arith.constant 0 : index
    %swap3A_64 = arith.constant 0 : index
    %swap3A_65 = vector.load %arg5[%swap3A_62, %swap3A_63, %swap3A_64] : memref<32x50x1000xf32, #tpu.memory_space<vmem>>, vector<1x50x1000xf32>
    %swap3A_66 = vector.shape_cast %swap3A_65 : vector<1x50x1000xf32> to vector<50x1000xf32>
    %swap3A_67 = vector.shape_cast %slice3A_61 : vector<50x1000xf32> to vector<1x50x1000xf32>
    tpu.vector_store %arg5[%swap3A_62, %swap3A_63, %swap3A_64], %swap3A_67 {strides = array<i32>} : memref<32x50x1000xf32, #tpu.memory_space<vmem>>, vector<1x50x1000xf32>,
    %slice3A_68 = vector.extract_strided_slice %add3A_13 {offsets = [400, 0], sizes = [50, 1000], strides = [1, 1]} : vector<1600x1000xf32> to vector<50x1000xf32>
    %swap3A_69 = arith.constant 8 : index
    %swap3A_70 = arith.constant 0 : index
    %swap3A_71 = arith.constant 0 : index
    %swap3A_72 = vector.load %arg5[%swap3A_69, %swap3A_70, %swap3A_71] : memref<32x50x1000xf32, #tpu.memory_space<vmem>>, vector<1x50x1000xf32>
    %swap3A_73 = vector.shape_cast %swap3A_72 : vector<1x50x1000xf32> to vector<50x1000xf32>
    %swap3A_74 = vector.shape_cast %slice3A_68 : vector<50x1000xf32> to vector<1x50x1000xf32>
    tpu.vector_store %arg5[%swap3A_69, %swap3A_70, %swap3A_71], %swap3A_74 {strides = array<i32>} : memref<32x50x1000xf32, #tpu.memory_space<vmem>>, vector<1x50x1000xf32>,
    %slice3A_75 = vector.extract_strided_slice %add3A_13 {offsets = [450, 0], sizes = [50, 1000], strides = [1, 1]} : vector<1600x1000xf32> to vector<50x1000xf32>
    %swap3A_76 = arith.constant 9 : index
    %swap3A_77 = arith.constant 0 : index
    %swap3A_78 = arith.constant 0 : index
    %swap3A_79 = vector.load %arg5[%swap3A_76, %swap3A_77, %swap3A_78] : memref<32x50x1000xf32, #tpu.memory_space<vmem>>, vector<1x50x1000xf32>
    %swap3A_80 = vector.shape_cast %swap3A_79 : vector<1x50x1000xf32> to vector<50x1000xf32>
    %swap3A_81 = vector.shape_cast %slice3A_75 : vector<50x1000xf32> to vector<1x50x1000xf32>
    tpu.vector_store %arg5[%swap3A_76, %swap3A_77, %swap3A_78], %swap3A_81 {strides = array<i32>} : memref<32x50x1000xf32, #tpu.memory_space<vmem>>, vector<1x50x1000xf32>,
    %slice3A_82 = vector.extract_strided_slice %add3A_13 {offsets = [500, 0], sizes = [50, 1000], strides = [1, 1]} : vector<1600x1000xf32> to vector<50x1000xf32>
    %swap3A_83 = arith.constant 10 : index
    %swap3A_84 = arith.constant 0 : index
    %swap3A_85 = arith.constant 0 : index
    %swap3A_86 = vector.load %arg5[%swap3A_83, %swap3A_84, %swap3A_85] : memref<32x50x1000xf32, #tpu.memory_space<vmem>>, vector<1x50x1000xf32>
    %swap3A_87 = vector.shape_cast %swap3A_86 : vector<1x50x1000xf32> to vector<50x1000xf32>
    %swap3A_88 = vector.shape_cast %slice3A_82 : vector<50x1000xf32> to vector<1x50x1000xf32>
    tpu.vector_store %arg5[%swap3A_83, %swap3A_84, %swap3A_85], %swap3A_88 {strides = array<i32>} : memref<32x50x1000xf32, #tpu.memory_space<vmem>>, vector<1x50x1000xf32>,
    %slice3A_89 = vector.extract_strided_slice %add3A_13 {offsets = [550, 0], sizes = [50, 1000], strides = [1, 1]} : vector<1600x1000xf32> to vector<50x1000xf32>
    %swap3A_90 = arith.constant 11 : index
    %swap3A_91 = arith.constant 0 : index
    %swap3A_92 = arith.constant 0 : index
    %swap3A_93 = vector.load %arg5[%swap3A_90, %swap3A_91, %swap3A_92] : memref<32x50x1000xf32, #tpu.memory_space<vmem>>, vector<1x50x1000xf32>
    %swap3A_94 = vector.shape_cast %swap3A_93 : vector<1x50x1000xf32> to vector<50x1000xf32>
    %swap3A_95 = vector.shape_cast %slice3A_89 : vector<50x1000xf32> to vector<1x50x1000xf32>
    tpu.vector_store %arg5[%swap3A_90, %swap3A_91, %swap3A_92], %swap3A_95 {strides = array<i32>} : memref<32x50x1000xf32, #tpu.memory_space<vmem>>, vector<1x50x1000xf32>,
    %slice3A_96 = vector.extract_strided_slice %add3A_13 {offsets = [600, 0], sizes = [50, 1000], strides = [1, 1]} : vector<1600x1000xf32> to vector<50x1000xf32>
    %swap3A_97 = arith.constant 12 : index
    %swap3A_98 = arith.constant 0 : index
    %swap3A_99 = arith.constant 0 : index
    %swap3A_100 = vector.load %arg5[%swap3A_97, %swap3A_98, %swap3A_99] : memref<32x50x1000xf32, #tpu.memory_space<vmem>>, vector<1x50x1000xf32>
    %swap3A_101 = vector.shape_cast %swap3A_100 : vector<1x50x1000xf32> to vector<50x1000xf32>
    %swap3A_102 = vector.shape_cast %slice3A_96 : vector<50x1000xf32> to vector<1x50x1000xf32>
    tpu.vector_store %arg5[%swap3A_97, %swap3A_98, %swap3A_99], %swap3A_102 {strides = array<i32>} : memref<32x50x1000xf32, #tpu.memory_space<vmem>>, vector<1x50x1000xf32>,
    %slice3A_103 = vector.extract_strided_slice %add3A_13 {offsets = [650, 0], sizes = [50, 1000], strides = [1, 1]} : vector<1600x1000xf32> to vector<50x1000xf32>
    %swap3A_104 = arith.constant 13 : index
    %swap3A_105 = arith.constant 0 : index
    %swap3A_106 = arith.constant 0 : index
    %swap3A_107 = vector.load %arg5[%swap3A_104, %swap3A_105, %swap3A_106] : memref<32x50x1000xf32, #tpu.memory_space<vmem>>, vector<1x50x1000xf32>
    %swap3A_108 = vector.shape_cast %swap3A_107 : vector<1x50x1000xf32> to vector<50x1000xf32>
    %swap3A_109 = vector.shape_cast %slice3A_103 : vector<50x1000xf32> to vector<1x50x1000xf32>
    tpu.vector_store %arg5[%swap3A_104, %swap3A_105, %swap3A_106], %swap3A_109 {strides = array<i32>} : memref<32x50x1000xf32, #tpu.memory_space<vmem>>, vector<1x50x1000xf32>,
    %slice3A_110 = vector.extract_strided_slice %add3A_13 {offsets = [700, 0], sizes = [50, 1000], strides = [1, 1]} : vector<1600x1000xf32> to vector<50x1000xf32>
    %swap3A_111 = arith.constant 14 : index
    %swap3A_112 = arith.constant 0 : index
    %swap3A_113 = arith.constant 0 : index
    %swap3A_114 = vector.load %arg5[%swap3A_111, %swap3A_112, %swap3A_113] : memref<32x50x1000xf32, #tpu.memory_space<vmem>>, vector<1x50x1000xf32>
    %swap3A_115 = vector.shape_cast %swap3A_114 : vector<1x50x1000xf32> to vector<50x1000xf32>
    %swap3A_116 = vector.shape_cast %slice3A_110 : vector<50x1000xf32> to vector<1x50x1000xf32>
    tpu.vector_store %arg5[%swap3A_111, %swap3A_112, %swap3A_113], %swap3A_116 {strides = array<i32>} : memref<32x50x1000xf32, #tpu.memory_space<vmem>>, vector<1x50x1000xf32>,
    %slice3A_117 = vector.extract_strided_slice %add3A_13 {offsets = [750, 0], sizes = [50, 1000], strides = [1, 1]} : vector<1600x1000xf32> to vector<50x1000xf32>
    %swap3A_118 = arith.constant 15 : index
    %swap3A_119 = arith.constant 0 : index
    %swap3A_120 = arith.constant 0 : index
    %swap3A_121 = vector.load %arg5[%swap3A_118, %swap3A_119, %swap3A_120] : memref<32x50x1000xf32, #tpu.memory_space<vmem>>, vector<1x50x1000xf32>
    %swap3A_122 = vector.shape_cast %swap3A_121 : vector<1x50x1000xf32> to vector<50x1000xf32>
    %swap3A_123 = vector.shape_cast %slice3A_117 : vector<50x1000xf32> to vector<1x50x1000xf32>
    tpu.vector_store %arg5[%swap3A_118, %swap3A_119, %swap3A_120], %swap3A_123 {strides = array<i32>} : memref<32x50x1000xf32, #tpu.memory_space<vmem>>, vector<1x50x1000xf32>,
    %slice3A_124 = vector.extract_strided_slice %add3A_13 {offsets = [800, 0], sizes = [50, 1000], strides = [1, 1]} : vector<1600x1000xf32> to vector<50x1000xf32>
    %swap3A_125 = arith.constant 16 : index
    %swap3A_126 = arith.constant 0 : index
    %swap3A_127 = arith.constant 0 : index
    %swap3A_128 = vector.load %arg5[%swap3A_125, %swap3A_126, %swap3A_127] : memref<32x50x1000xf32, #tpu.memory_space<vmem>>, vector<1x50x1000xf32>
    %swap3A_129 = vector.shape_cast %swap3A_128 : vector<1x50x1000xf32> to vector<50x1000xf32>
    %swap3A_130 = vector.shape_cast %slice3A_124 : vector<50x1000xf32> to vector<1x50x1000xf32>
    tpu.vector_store %arg5[%swap3A_125, %swap3A_126, %swap3A_127], %swap3A_130 {strides = array<i32>} : memref<32x50x1000xf32, #tpu.memory_space<vmem>>, vector<1x50x1000xf32>,
    %slice3A_131 = vector.extract_strided_slice %add3A_13 {offsets = [850, 0], sizes = [50, 1000], strides = [1, 1]} : vector<1600x1000xf32> to vector<50x1000xf32>
    %swap3A_132 = arith.constant 17 : index
    %swap3A_133 = arith.constant 0 : index
    %swap3A_134 = arith.constant 0 : index
    %swap3A_135 = vector.load %arg5[%swap3A_132, %swap3A_133, %swap3A_134] : memref<32x50x1000xf32, #tpu.memory_space<vmem>>, vector<1x50x1000xf32>
    %swap3A_136 = vector.shape_cast %swap3A_135 : vector<1x50x1000xf32> to vector<50x1000xf32>
    %swap3A_137 = vector.shape_cast %slice3A_131 : vector<50x1000xf32> to vector<1x50x1000xf32>
    tpu.vector_store %arg5[%swap3A_132, %swap3A_133, %swap3A_134], %swap3A_137 {strides = array<i32>} : memref<32x50x1000xf32, #tpu.memory_space<vmem>>, vector<1x50x1000xf32>,
    %slice3A_138 = vector.extract_strided_slice %add3A_13 {offsets = [900, 0], sizes = [50, 1000], strides = [1, 1]} : vector<1600x1000xf32> to vector<50x1000xf32>
    %swap3A_139 = arith.constant 18 : index
    %swap3A_140 = arith.constant 0 : index
    %swap3A_141 = arith.constant 0 : index
    %swap3A_142 = vector.load %arg5[%swap3A_139, %swap3A_140, %swap3A_141] : memref<32x50x1000xf32, #tpu.memory_space<vmem>>, vector<1x50x1000xf32>
    %swap3A_143 = vector.shape_cast %swap3A_142 : vector<1x50x1000xf32> to vector<50x1000xf32>
    %swap3A_144 = vector.shape_cast %slice3A_138 : vector<50x1000xf32> to vector<1x50x1000xf32>
    tpu.vector_store %arg5[%swap3A_139, %swap3A_140, %swap3A_141], %swap3A_144 {strides = array<i32>} : memref<32x50x1000xf32, #tpu.memory_space<vmem>>, vector<1x50x1000xf32>,
    %slice3A_145 = vector.extract_strided_slice %add3A_13 {offsets = [950, 0], sizes = [50, 1000], strides = [1, 1]} : vector<1600x1000xf32> to vector<50x1000xf32>
    %swap3A_146 = arith.constant 19 : index
    %swap3A_147 = arith.constant 0 : index
    %swap3A_148 = arith.constant 0 : index
    %swap3A_149 = vector.load %arg5[%swap3A_146, %swap3A_147, %swap3A_148] : memref<32x50x1000xf32, #tpu.memory_space<vmem>>, vector<1x50x1000xf32>
    %swap3A_150 = vector.shape_cast %swap3A_149 : vector<1x50x1000xf32> to vector<50x1000xf32>
    %swap3A_151 = vector.shape_cast %slice3A_145 : vector<50x1000xf32> to vector<1x50x1000xf32>
    tpu.vector_store %arg5[%swap3A_146, %swap3A_147, %swap3A_148], %swap3A_151 {strides = array<i32>} : memref<32x50x1000xf32, #tpu.memory_space<vmem>>, vector<1x50x1000xf32>,
    %slice3A_152 = vector.extract_strided_slice %add3A_13 {offsets = [1000, 0], sizes = [50, 1000], strides = [1, 1]} : vector<1600x1000xf32> to vector<50x1000xf32>
    %swap3A_153 = arith.constant 20 : index
    %swap3A_154 = arith.constant 0 : index
    %swap3A_155 = arith.constant 0 : index
    %swap3A_156 = vector.load %arg5[%swap3A_153, %swap3A_154, %swap3A_155] : memref<32x50x1000xf32, #tpu.memory_space<vmem>>, vector<1x50x1000xf32>
    %swap3A_157 = vector.shape_cast %swap3A_156 : vector<1x50x1000xf32> to vector<50x1000xf32>
    %swap3A_158 = vector.shape_cast %slice3A_152 : vector<50x1000xf32> to vector<1x50x1000xf32>
    tpu.vector_store %arg5[%swap3A_153, %swap3A_154, %swap3A_155], %swap3A_158 {strides = array<i32>} : memref<32x50x1000xf32, #tpu.memory_space<vmem>>, vector<1x50x1000xf32>,
    %slice3A_159 = vector.extract_strided_slice %add3A_13 {offsets = [1050, 0], sizes = [50, 1000], strides = [1, 1]} : vector<1600x1000xf32> to vector<50x1000xf32>
    %swap3A_160 = arith.constant 21 : index
    %swap3A_161 = arith.constant 0 : index
    %swap3A_162 = arith.constant 0 : index
    %swap3A_163 = vector.load %arg5[%swap3A_160, %swap3A_161, %swap3A_162] : memref<32x50x1000xf32, #tpu.memory_space<vmem>>, vector<1x50x1000xf32>
    %swap3A_164 = vector.shape_cast %swap3A_163 : vector<1x50x1000xf32> to vector<50x1000xf32>
    %swap3A_165 = vector.shape_cast %slice3A_159 : vector<50x1000xf32> to vector<1x50x1000xf32>
    tpu.vector_store %arg5[%swap3A_160, %swap3A_161, %swap3A_162], %swap3A_165 {strides = array<i32>} : memref<32x50x1000xf32, #tpu.memory_space<vmem>>, vector<1x50x1000xf32>,
    %slice3A_166 = vector.extract_strided_slice %add3A_13 {offsets = [1100, 0], sizes = [50, 1000], strides = [1, 1]} : vector<1600x1000xf32> to vector<50x1000xf32>
    %swap3A_167 = arith.constant 22 : index
    %swap3A_168 = arith.constant 0 : index
    %swap3A_169 = arith.constant 0 : index
    %swap3A_170 = vector.load %arg5[%swap3A_167, %swap3A_168, %swap3A_169] : memref<32x50x1000xf32, #tpu.memory_space<vmem>>, vector<1x50x1000xf32>
    %swap3A_171 = vector.shape_cast %swap3A_170 : vector<1x50x1000xf32> to vector<50x1000xf32>
    %swap3A_172 = vector.shape_cast %slice3A_166 : vector<50x1000xf32> to vector<1x50x1000xf32>
    tpu.vector_store %arg5[%swap3A_167, %swap3A_168, %swap3A_169], %swap3A_172 {strides = array<i32>} : memref<32x50x1000xf32, #tpu.memory_space<vmem>>, vector<1x50x1000xf32>,
    %slice3A_173 = vector.extract_strided_slice %add3A_13 {offsets = [1150, 0], sizes = [50, 1000], strides = [1, 1]} : vector<1600x1000xf32> to vector<50x1000xf32>
    %swap3A_174 = arith.constant 23 : index
    %swap3A_175 = arith.constant 0 : index
    %swap3A_176 = arith.constant 0 : index
    %swap3A_177 = vector.load %arg5[%swap3A_174, %swap3A_175, %swap3A_176] : memref<32x50x1000xf32, #tpu.memory_space<vmem>>, vector<1x50x1000xf32>
    %swap3A_178 = vector.shape_cast %swap3A_177 : vector<1x50x1000xf32> to vector<50x1000xf32>
    %swap3A_179 = vector.shape_cast %slice3A_173 : vector<50x1000xf32> to vector<1x50x1000xf32>
    tpu.vector_store %arg5[%swap3A_174, %swap3A_175, %swap3A_176], %swap3A_179 {strides = array<i32>} : memref<32x50x1000xf32, #tpu.memory_space<vmem>>, vector<1x50x1000xf32>,
    %slice3A_180 = vector.extract_strided_slice %add3A_13 {offsets = [1200, 0], sizes = [50, 1000], strides = [1, 1]} : vector<1600x1000xf32> to vector<50x1000xf32>
    %swap3A_181 = arith.constant 24 : index
    %swap3A_182 = arith.constant 0 : index
    %swap3A_183 = arith.constant 0 : index
    %swap3A_184 = vector.load %arg5[%swap3A_181, %swap3A_182, %swap3A_183] : memref<32x50x1000xf32, #tpu.memory_space<vmem>>, vector<1x50x1000xf32>
    %swap3A_185 = vector.shape_cast %swap3A_184 : vector<1x50x1000xf32> to vector<50x1000xf32>
    %swap3A_186 = vector.shape_cast %slice3A_180 : vector<50x1000xf32> to vector<1x50x1000xf32>
    tpu.vector_store %arg5[%swap3A_181, %swap3A_182, %swap3A_183], %swap3A_186 {strides = array<i32>} : memref<32x50x1000xf32, #tpu.memory_space<vmem>>, vector<1x50x1000xf32>,
    %slice3A_187 = vector.extract_strided_slice %add3A_13 {offsets = [1250, 0], sizes = [50, 1000], strides = [1, 1]} : vector<1600x1000xf32> to vector<50x1000xf32>
    %swap3A_188 = arith.constant 25 : index
    %swap3A_189 = arith.constant 0 : index
    %swap3A_190 = arith.constant 0 : index
    %swap3A_191 = vector.load %arg5[%swap3A_188, %swap3A_189, %swap3A_190] : memref<32x50x1000xf32, #tpu.memory_space<vmem>>, vector<1x50x1000xf32>
    %swap3A_192 = vector.shape_cast %swap3A_191 : vector<1x50x1000xf32> to vector<50x1000xf32>
    %swap3A_193 = vector.shape_cast %slice3A_187 : vector<50x1000xf32> to vector<1x50x1000xf32>
    tpu.vector_store %arg5[%swap3A_188, %swap3A_189, %swap3A_190], %swap3A_193 {strides = array<i32>} : memref<32x50x1000xf32, #tpu.memory_space<vmem>>, vector<1x50x1000xf32>,
    %slice3A_194 = vector.extract_strided_slice %add3A_13 {offsets = [1300, 0], sizes = [50, 1000], strides = [1, 1]} : vector<1600x1000xf32> to vector<50x1000xf32>
    %swap3A_195 = arith.constant 26 : index
    %swap3A_196 = arith.constant 0 : index
    %swap3A_197 = arith.constant 0 : index
    %swap3A_198 = vector.load %arg5[%swap3A_195, %swap3A_196, %swap3A_197] : memref<32x50x1000xf32, #tpu.memory_space<vmem>>, vector<1x50x1000xf32>
    %swap3A_199 = vector.shape_cast %swap3A_198 : vector<1x50x1000xf32> to vector<50x1000xf32>
    %swap3A_200 = vector.shape_cast %slice3A_194 : vector<50x1000xf32> to vector<1x50x1000xf32>
    tpu.vector_store %arg5[%swap3A_195, %swap3A_196, %swap3A_197], %swap3A_200 {strides = array<i32>} : memref<32x50x1000xf32, #tpu.memory_space<vmem>>, vector<1x50x1000xf32>,
    %slice3A_201 = vector.extract_strided_slice %add3A_13 {offsets = [1350, 0], sizes = [50, 1000], strides = [1, 1]} : vector<1600x1000xf32> to vector<50x1000xf32>
    %swap3A_202 = arith.constant 27 : index
    %swap3A_203 = arith.constant 0 : index
    %swap3A_204 = arith.constant 0 : index
    %swap3A_205 = vector.load %arg5[%swap3A_202, %swap3A_203, %swap3A_204] : memref<32x50x1000xf32, #tpu.memory_space<vmem>>, vector<1x50x1000xf32>
    %swap3A_206 = vector.shape_cast %swap3A_205 : vector<1x50x1000xf32> to vector<50x1000xf32>
    %swap3A_207 = vector.shape_cast %slice3A_201 : vector<50x1000xf32> to vector<1x50x1000xf32>
    tpu.vector_store %arg5[%swap3A_202, %swap3A_203, %swap3A_204], %swap3A_207 {strides = array<i32>} : memref<32x50x1000xf32, #tpu.memory_space<vmem>>, vector<1x50x1000xf32>,
    %slice3A_208 = vector.extract_strided_slice %add3A_13 {offsets = [1400, 0], sizes = [50, 1000], strides = [1, 1]} : vector<1600x1000xf32> to vector<50x1000xf32>
    %swap3A_209 = arith.constant 28 : index
    %swap3A_210 = arith.constant 0 : index
    %swap3A_211 = arith.constant 0 : index
    %swap3A_212 = vector.load %arg5[%swap3A_209, %swap3A_210, %swap3A_211] : memref<32x50x1000xf32, #tpu.memory_space<vmem>>, vector<1x50x1000xf32>
    %swap3A_213 = vector.shape_cast %swap3A_212 : vector<1x50x1000xf32> to vector<50x1000xf32>
    %swap3A_214 = vector.shape_cast %slice3A_208 : vector<50x1000xf32> to vector<1x50x1000xf32>
    tpu.vector_store %arg5[%swap3A_209, %swap3A_210, %swap3A_211], %swap3A_214 {strides = array<i32>} : memref<32x50x1000xf32, #tpu.memory_space<vmem>>, vector<1x50x1000xf32>,
    %slice3A_215 = vector.extract_strided_slice %add3A_13 {offsets = [1450, 0], sizes = [50, 1000], strides = [1, 1]} : vector<1600x1000xf32> to vector<50x1000xf32>
    %swap3A_216 = arith.constant 29 : index
    %swap3A_217 = arith.constant 0 : index
    %swap3A_218 = arith.constant 0 : index
    %swap3A_219 = vector.load %arg5[%swap3A_216, %swap3A_217, %swap3A_218] : memref<32x50x1000xf32, #tpu.memory_space<vmem>>, vector<1x50x1000xf32>
    %swap3A_220 = vector.shape_cast %swap3A_219 : vector<1x50x1000xf32> to vector<50x1000xf32>
    %swap3A_221 = vector.shape_cast %slice3A_215 : vector<50x1000xf32> to vector<1x50x1000xf32>
    tpu.vector_store %arg5[%swap3A_216, %swap3A_217, %swap3A_218], %swap3A_221 {strides = array<i32>} : memref<32x50x1000xf32, #tpu.memory_space<vmem>>, vector<1x50x1000xf32>,
    %slice3A_222 = vector.extract_strided_slice %add3A_13 {offsets = [1500, 0], sizes = [50, 1000], strides = [1, 1]} : vector<1600x1000xf32> to vector<50x1000xf32>
    %swap3A_223 = arith.constant 30 : index
    %swap3A_224 = arith.constant 0 : index
    %swap3A_225 = arith.constant 0 : index
    %swap3A_226 = vector.load %arg5[%swap3A_223, %swap3A_224, %swap3A_225] : memref<32x50x1000xf32, #tpu.memory_space<vmem>>, vector<1x50x1000xf32>
    %swap3A_227 = vector.shape_cast %swap3A_226 : vector<1x50x1000xf32> to vector<50x1000xf32>
    %swap3A_228 = vector.shape_cast %slice3A_222 : vector<50x1000xf32> to vector<1x50x1000xf32>
    tpu.vector_store %arg5[%swap3A_223, %swap3A_224, %swap3A_225], %swap3A_228 {strides = array<i32>} : memref<32x50x1000xf32, #tpu.memory_space<vmem>>, vector<1x50x1000xf32>,
    %slice3A_229 = vector.extract_strided_slice %add3A_13 {offsets = [1550, 0], sizes = [50, 1000], strides = [1, 1]} : vector<1600x1000xf32> to vector<50x1000xf32>
    %swap3A_230 = arith.constant 31 : index
    %swap3A_231 = arith.constant 0 : index
    %swap3A_232 = arith.constant 0 : index
    %swap3A_233 = vector.load %arg5[%swap3A_230, %swap3A_231, %swap3A_232] : memref<32x50x1000xf32, #tpu.memory_space<vmem>>, vector<1x50x1000xf32>
    %swap3A_234 = vector.shape_cast %swap3A_233 : vector<1x50x1000xf32> to vector<50x1000xf32>
    %swap3A_235 = vector.shape_cast %slice3A_229 : vector<50x1000xf32> to vector<1x50x1000xf32>
    tpu.vector_store %arg5[%swap3A_230, %swap3A_231, %swap3A_232], %swap3A_235 {strides = array<i32>} : memref<32x50x1000xf32, #tpu.memory_space<vmem>>, vector<1x50x1000xf32>,
    return
  }
  func.func @transform_0(%arg0: i32) -> (i32, i32) {
    %c0_i32 = arith.constant 0 : i32
    %c0_i32_0 = arith.constant 0 : i32
    return %arg0, %c0_i32 : i32, i32
  }
  func.func @transform_1(%arg0: i32) -> (i32, i32) {
    %c0_i32 = arith.constant 0 : i32
    %c0_i32_0 = arith.constant 0 : i32
    %c0_i32_1 = arith.constant 0 : i32
    return %c0_i32, %c0_i32_0 : i32, i32
  }
  func.func @transform_2(%arg0: i32) -> (i32, i32) {
    %c0_i32 = arith.constant 0 : i32
    %c0_i32_0 = arith.constant 0 : i32
    %c0_i32_1 = arith.constant 0 : i32
    return %c0_i32, %c0_i32_0 : i32, i32
  }
  func.func @transform_3(%arg0: i32) -> (i32, i32) {
    %c0_i32 = arith.constant 0 : i32
    %c0_i32_0 = arith.constant 0 : i32
    %c0_i32_1 = arith.constant 0 : i32
    return %c0_i32, %c0_i32_0 : i32, i32
  }
  func.func @transform_4(%arg0: i32) -> (i32, i32, i32) {
    %add3A = arith.constant 0 : i32
    %add3A_0 = arith.addi %arg0, %add3A : i32
    %c0_i32 = arith.constant 0 : i32
    %c0_i32_1 = arith.constant 0 : i32
    %c0_i32_2 = arith.constant 0 : i32
    return %add3A_0, %c0_i32, %c0_i32_1 : i32, i32, i32
  }
}

module attributes {stable_mosaic.version = 14 : i64} {
  func.func @_mm_body_alias(%arg0: i32, %arg1: memref<1600x128xf32, #tpu.memory_space<vmem>>, %arg2: memref<1600x128xf32, #tpu.memory_space<vmem>>, %arg3: memref<128x1000xf32, #tpu.memory_space<vmem>>, %arg4: memref<1x1000xf32, #tpu.memory_space<vmem>>, %arg5: memref<1024x50x1000xf32, #tpu.memory_space<hbm>>, %arg6: memref<32x50x1000xf32, #tpu.memory_space<vmem>>) attributes {dimension_semantics = [#tpu.dimension_semantics<arbitrary>], iteration_bounds = array<i64: 16>, scalar_prefetch = 0 : i64, scratch_operands = 0 : i64, tpu.core_type = #tpu.core_type<tc>, window_params = [{transform_indices = @transform_0, window_bounds = array<i64: 1600, 128>}, {pipeline_mode = #tpu.pipeline_mode<synchronous>, transform_indices = @transform_1, window_bounds = array<i64: 1600, 128>}, {pipeline_mode = #tpu.pipeline_mode<synchronous>, transform_indices = @transform_2, window_bounds = array<i64: 128, 1000>}, {pipeline_mode = #tpu.pipeline_mode<synchronous>, transform_indices = @transform_3, window_bounds = array<i64: 1, 1000>}, {}, {transform_indices = @transform_5, window_bounds = array<i64: 32, 50, 1000>}]} {
    %get3A = arith.constant 0 : index
    %get3A_0 = arith.constant 0 : index
    %get3A_1 = vector.load %arg1[%get3A, %get3A_0] : memref<1600x128xf32, #tpu.memory_space<vmem>>, vector<1600x128xf32>
    %get3A_2 = arith.constant 0 : index
    %get3A_3 = arith.constant 0 : index
    %get3A_4 = vector.load %arg2[%get3A_2, %get3A_3] : memref<1600x128xf32, #tpu.memory_space<vmem>>, vector<1600x128xf32>
    %add3A = arith.addf %get3A_1, %get3A_4 : vector<1600x128xf32>
    %get3A_5 = arith.constant 0 : index
    %get3A_6 = arith.constant 0 : index
    %get3A_7 = vector.load %arg3[%get3A_5, %get3A_6] : memref<128x1000xf32, #tpu.memory_space<vmem>>, vector<128x1000xf32>
    %dot_general3A = arith.constant dense<0.000000e+00> : vector<1600x1000xf32>
    %dot_general3A_8 = tpu.matmul %add3A, %get3A_7, %dot_general3A {dimension_numbers = #tpu.dot_dimension_numbers<[1], [0], [0], [1], [0, 0, 1, 1], [], []>, transpose_lhs_hint = false} : vector<1600x128xf32>, vector<128x1000xf32>, vector<1600x1000xf32> -> vector<1600x1000xf32>
    %get3A_9 = arith.constant 0 : index
    %get3A_10 = arith.constant 0 : index
    %get3A_11 = vector.load %arg4[%get3A_9, %get3A_10] : memref<1x1000xf32, #tpu.memory_space<vmem>>, vector<1x1000xf32>
    %add3A_12 = vector.broadcast %get3A_11 : vector<1x1000xf32> to vector<1600x1000xf32>
    %add3A_13 = arith.addf %dot_general3A_8, %add3A_12 : vector<1600x1000xf32>
    %slice3A = vector.extract_strided_slice %add3A_13 {offsets = [0, 0], sizes = [50, 1000], strides = [1, 1]} : vector<1600x1000xf32> to vector<50x1000xf32>
    %swap3A = arith.constant 0 : index
    %swap3A_14 = arith.constant 0 : index
    %swap3A_15 = arith.constant 0 : index
    %swap3A_16 = vector.load %arg6[%swap3A, %swap3A_14, %swap3A_15] : memref<32x50x1000xf32, #tpu.memory_space<vmem>>, vector<1x50x1000xf32>
    %swap3A_17 = vector.shape_cast %swap3A_16 : vector<1x50x1000xf32> to vector<50x1000xf32>
    %swap3A_18 = vector.shape_cast %slice3A : vector<50x1000xf32> to vector<1x50x1000xf32>
    tpu.vector_store %arg6[%swap3A, %swap3A_14, %swap3A_15], %swap3A_18 {strides = array<i32>} : memref<32x50x1000xf32, #tpu.memory_space<vmem>>, vector<1x50x1000xf32>,
    %slice3A_19 = vector.extract_strided_slice %add3A_13 {offsets = [50, 0], sizes = [50, 1000], strides = [1, 1]} : vector<1600x1000xf32> to vector<50x1000xf32>
    %swap3A_20 = arith.constant 1 : index
    %swap3A_21 = arith.constant 0 : index
    %swap3A_22 = arith.constant 0 : index
    %swap3A_23 = vector.load %arg6[%swap3A_20, %swap3A_21, %swap3A_22] : memref<32x50x1000xf32, #tpu.memory_space<vmem>>, vector<1x50x1000xf32>
    %swap3A_24 = vector.shape_cast %swap3A_23 : vector<1x50x1000xf32> to vector<50x1000xf32>
    %swap3A_25 = vector.shape_cast %slice3A_19 : vector<50x1000xf32> to vector<1x50x1000xf32>
    tpu.vector_store %arg6[%swap3A_20, %swap3A_21, %swap3A_22], %swap3A_25 {strides = array<i32>} : memref<32x50x1000xf32, #tpu.memory_space<vmem>>, vector<1x50x1000xf32>,
    %slice3A_26 = vector.extract_strided_slice %add3A_13 {offsets = [100, 0], sizes = [50, 1000], strides = [1, 1]} : vector<1600x1000xf32> to vector<50x1000xf32>
    %swap3A_27 = arith.constant 2 : index
    %swap3A_28 = arith.constant 0 : index
    %swap3A_29 = arith.constant 0 : index
    %swap3A_30 = vector.load %arg6[%swap3A_27, %swap3A_28, %swap3A_29] : memref<32x50x1000xf32, #tpu.memory_space<vmem>>, vector<1x50x1000xf32>
    %swap3A_31 = vector.shape_cast %swap3A_30 : vector<1x50x1000xf32> to vector<50x1000xf32>
    %swap3A_32 = vector.shape_cast %slice3A_26 : vector<50x1000xf32> to vector<1x50x1000xf32>
    tpu.vector_store %arg6[%swap3A_27, %swap3A_28, %swap3A_29], %swap3A_32 {strides = array<i32>} : memref<32x50x1000xf32, #tpu.memory_space<vmem>>, vector<1x50x1000xf32>,
    %slice3A_33 = vector.extract_strided_slice %add3A_13 {offsets = [150, 0], sizes = [50, 1000], strides = [1, 1]} : vector<1600x1000xf32> to vector<50x1000xf32>
    %swap3A_34 = arith.constant 3 : index
    %swap3A_35 = arith.constant 0 : index
    %swap3A_36 = arith.constant 0 : index
    %swap3A_37 = vector.load %arg6[%swap3A_34, %swap3A_35, %swap3A_36] : memref<32x50x1000xf32, #tpu.memory_space<vmem>>, vector<1x50x1000xf32>
    %swap3A_38 = vector.shape_cast %swap3A_37 : vector<1x50x1000xf32> to vector<50x1000xf32>
    %swap3A_39 = vector.shape_cast %slice3A_33 : vector<50x1000xf32> to vector<1x50x1000xf32>
    tpu.vector_store %arg6[%swap3A_34, %swap3A_35, %swap3A_36], %swap3A_39 {strides = array<i32>} : memref<32x50x1000xf32, #tpu.memory_space<vmem>>, vector<1x50x1000xf32>,
    %slice3A_40 = vector.extract_strided_slice %add3A_13 {offsets = [200, 0], sizes = [50, 1000], strides = [1, 1]} : vector<1600x1000xf32> to vector<50x1000xf32>
    %swap3A_41 = arith.constant 4 : index
    %swap3A_42 = arith.constant 0 : index
    %swap3A_43 = arith.constant 0 : index
    %swap3A_44 = vector.load %arg6[%swap3A_41, %swap3A_42, %swap3A_43] : memref<32x50x1000xf32, #tpu.memory_space<vmem>>, vector<1x50x1000xf32>
    %swap3A_45 = vector.shape_cast %swap3A_44 : vector<1x50x1000xf32> to vector<50x1000xf32>
    %swap3A_46 = vector.shape_cast %slice3A_40 : vector<50x1000xf32> to vector<1x50x1000xf32>
    tpu.vector_store %arg6[%swap3A_41, %swap3A_42, %swap3A_43], %swap3A_46 {strides = array<i32>} : memref<32x50x1000xf32, #tpu.memory_space<vmem>>, vector<1x50x1000xf32>,
    %slice3A_47 = vector.extract_strided_slice %add3A_13 {offsets = [250, 0], sizes = [50, 1000], strides = [1, 1]} : vector<1600x1000xf32> to vector<50x1000xf32>
    %swap3A_48 = arith.constant 5 : index
    %swap3A_49 = arith.constant 0 : index
    %swap3A_50 = arith.constant 0 : index
    %swap3A_51 = vector.load %arg6[%swap3A_48, %swap3A_49, %swap3A_50] : memref<32x50x1000xf32, #tpu.memory_space<vmem>>, vector<1x50x1000xf32>
    %swap3A_52 = vector.shape_cast %swap3A_51 : vector<1x50x1000xf32> to vector<50x1000xf32>
    %swap3A_53 = vector.shape_cast %slice3A_47 : vector<50x1000xf32> to vector<1x50x1000xf32>
    tpu.vector_store %arg6[%swap3A_48, %swap3A_49, %swap3A_50], %swap3A_53 {strides = array<i32>} : memref<32x50x1000xf32, #tpu.memory_space<vmem>>, vector<1x50x1000xf32>,
    %slice3A_54 = vector.extract_strided_slice %add3A_13 {offsets = [300, 0], sizes = [50, 1000], strides = [1, 1]} : vector<1600x1000xf32> to vector<50x1000xf32>
    %swap3A_55 = arith.constant 6 : index
    %swap3A_56 = arith.constant 0 : index
    %swap3A_57 = arith.constant 0 : index
    %swap3A_58 = vector.load %arg6[%swap3A_55, %swap3A_56, %swap3A_57] : memref<32x50x1000xf32, #tpu.memory_space<vmem>>, vector<1x50x1000xf32>
    %swap3A_59 = vector.shape_cast %swap3A_58 : vector<1x50x1000xf32> to vector<50x1000xf32>
    %swap3A_60 = vector.shape_cast %slice3A_54 : vector<50x1000xf32> to vector<1x50x1000xf32>
    tpu.vector_store %arg6[%swap3A_55, %swap3A_56, %swap3A_57], %swap3A_60 {strides = array<i32>} : memref<32x50x1000xf32, #tpu.memory_space<vmem>>, vector<1x50x1000xf32>,
    %slice3A_61 = vector.extract_strided_slice %add3A_13 {offsets = [350, 0], sizes = [50, 1000], strides = [1, 1]} : vector<1600x1000xf32> to vector<50x1000xf32>
    %swap3A_62 = arith.constant 7 : index
    %swap3A_63 = arith.constant 0 : index
    %swap3A_64 = arith.constant 0 : index
    %swap3A_65 = vector.load %arg6[%swap3A_62, %swap3A_63, %swap3A_64] : memref<32x50x1000xf32, #tpu.memory_space<vmem>>, vector<1x50x1000xf32>
    %swap3A_66 = vector.shape_cast %swap3A_65 : vector<1x50x1000xf32> to vector<50x1000xf32>
    %swap3A_67 = vector.shape_cast %slice3A_61 : vector<50x1000xf32> to vector<1x50x1000xf32>
    tpu.vector_store %arg6[%swap3A_62, %swap3A_63, %swap3A_64], %swap3A_67 {strides = array<i32>} : memref<32x50x1000xf32, #tpu.memory_space<vmem>>, vector<1x50x1000xf32>,
    %slice3A_68 = vector.extract_strided_slice %add3A_13 {offsets = [400, 0], sizes = [50, 1000], strides = [1, 1]} : vector<1600x1000xf32> to vector<50x1000xf32>
    %swap3A_69 = arith.constant 8 : index
    %swap3A_70 = arith.constant 0 : index
    %swap3A_71 = arith.constant 0 : index
    %swap3A_72 = vector.load %arg6[%swap3A_69, %swap3A_70, %swap3A_71] : memref<32x50x1000xf32, #tpu.memory_space<vmem>>, vector<1x50x1000xf32>
    %swap3A_73 = vector.shape_cast %swap3A_72 : vector<1x50x1000xf32> to vector<50x1000xf32>
    %swap3A_74 = vector.shape_cast %slice3A_68 : vector<50x1000xf32> to vector<1x50x1000xf32>
    tpu.vector_store %arg6[%swap3A_69, %swap3A_70, %swap3A_71], %swap3A_74 {strides = array<i32>} : memref<32x50x1000xf32, #tpu.memory_space<vmem>>, vector<1x50x1000xf32>,
    %slice3A_75 = vector.extract_strided_slice %add3A_13 {offsets = [450, 0], sizes = [50, 1000], strides = [1, 1]} : vector<1600x1000xf32> to vector<50x1000xf32>
    %swap3A_76 = arith.constant 9 : index
    %swap3A_77 = arith.constant 0 : index
    %swap3A_78 = arith.constant 0 : index
    %swap3A_79 = vector.load %arg6[%swap3A_76, %swap3A_77, %swap3A_78] : memref<32x50x1000xf32, #tpu.memory_space<vmem>>, vector<1x50x1000xf32>
    %swap3A_80 = vector.shape_cast %swap3A_79 : vector<1x50x1000xf32> to vector<50x1000xf32>
    %swap3A_81 = vector.shape_cast %slice3A_75 : vector<50x1000xf32> to vector<1x50x1000xf32>
    tpu.vector_store %arg6[%swap3A_76, %swap3A_77, %swap3A_78], %swap3A_81 {strides = array<i32>} : memref<32x50x1000xf32, #tpu.memory_space<vmem>>, vector<1x50x1000xf32>,
    %slice3A_82 = vector.extract_strided_slice %add3A_13 {offsets = [500, 0], sizes = [50, 1000], strides = [1, 1]} : vector<1600x1000xf32> to vector<50x1000xf32>
    %swap3A_83 = arith.constant 10 : index
    %swap3A_84 = arith.constant 0 : index
    %swap3A_85 = arith.constant 0 : index
    %swap3A_86 = vector.load %arg6[%swap3A_83, %swap3A_84, %swap3A_85] : memref<32x50x1000xf32, #tpu.memory_space<vmem>>, vector<1x50x1000xf32>
    %swap3A_87 = vector.shape_cast %swap3A_86 : vector<1x50x1000xf32> to vector<50x1000xf32>
    %swap3A_88 = vector.shape_cast %slice3A_82 : vector<50x1000xf32> to vector<1x50x1000xf32>
    tpu.vector_store %arg6[%swap3A_83, %swap3A_84, %swap3A_85], %swap3A_88 {strides = array<i32>} : memref<32x50x1000xf32, #tpu.memory_space<vmem>>, vector<1x50x1000xf32>,
    %slice3A_89 = vector.extract_strided_slice %add3A_13 {offsets = [550, 0], sizes = [50, 1000], strides = [1, 1]} : vector<1600x1000xf32> to vector<50x1000xf32>
    %swap3A_90 = arith.constant 11 : index
    %swap3A_91 = arith.constant 0 : index
    %swap3A_92 = arith.constant 0 : index
    %swap3A_93 = vector.load %arg6[%swap3A_90, %swap3A_91, %swap3A_92] : memref<32x50x1000xf32, #tpu.memory_space<vmem>>, vector<1x50x1000xf32>
    %swap3A_94 = vector.shape_cast %swap3A_93 : vector<1x50x1000xf32> to vector<50x1000xf32>
    %swap3A_95 = vector.shape_cast %slice3A_89 : vector<50x1000xf32> to vector<1x50x1000xf32>
    tpu.vector_store %arg6[%swap3A_90, %swap3A_91, %swap3A_92], %swap3A_95 {strides = array<i32>} : memref<32x50x1000xf32, #tpu.memory_space<vmem>>, vector<1x50x1000xf32>,
    %slice3A_96 = vector.extract_strided_slice %add3A_13 {offsets = [600, 0], sizes = [50, 1000], strides = [1, 1]} : vector<1600x1000xf32> to vector<50x1000xf32>
    %swap3A_97 = arith.constant 12 : index
    %swap3A_98 = arith.constant 0 : index
    %swap3A_99 = arith.constant 0 : index
    %swap3A_100 = vector.load %arg6[%swap3A_97, %swap3A_98, %swap3A_99] : memref<32x50x1000xf32, #tpu.memory_space<vmem>>, vector<1x50x1000xf32>
    %swap3A_101 = vector.shape_cast %swap3A_100 : vector<1x50x1000xf32> to vector<50x1000xf32>
    %swap3A_102 = vector.shape_cast %slice3A_96 : vector<50x1000xf32> to vector<1x50x1000xf32>
    tpu.vector_store %arg6[%swap3A_97, %swap3A_98, %swap3A_99], %swap3A_102 {strides = array<i32>} : memref<32x50x1000xf32, #tpu.memory_space<vmem>>, vector<1x50x1000xf32>,
    %slice3A_103 = vector.extract_strided_slice %add3A_13 {offsets = [650, 0], sizes = [50, 1000], strides = [1, 1]} : vector<1600x1000xf32> to vector<50x1000xf32>
    %swap3A_104 = arith.constant 13 : index
    %swap3A_105 = arith.constant 0 : index
    %swap3A_106 = arith.constant 0 : index
    %swap3A_107 = vector.load %arg6[%swap3A_104, %swap3A_105, %swap3A_106] : memref<32x50x1000xf32, #tpu.memory_space<vmem>>, vector<1x50x1000xf32>
    %swap3A_108 = vector.shape_cast %swap3A_107 : vector<1x50x1000xf32> to vector<50x1000xf32>
    %swap3A_109 = vector.shape_cast %slice3A_103 : vector<50x1000xf32> to vector<1x50x1000xf32>
    tpu.vector_store %arg6[%swap3A_104, %swap3A_105, %swap3A_106], %swap3A_109 {strides = array<i32>} : memref<32x50x1000xf32, #tpu.memory_space<vmem>>, vector<1x50x1000xf32>,
    %slice3A_110 = vector.extract_strided_slice %add3A_13 {offsets = [700, 0], sizes = [50, 1000], strides = [1, 1]} : vector<1600x1000xf32> to vector<50x1000xf32>
    %swap3A_111 = arith.constant 14 : index
    %swap3A_112 = arith.constant 0 : index
    %swap3A_113 = arith.constant 0 : index
    %swap3A_114 = vector.load %arg6[%swap3A_111, %swap3A_112, %swap3A_113] : memref<32x50x1000xf32, #tpu.memory_space<vmem>>, vector<1x50x1000xf32>
    %swap3A_115 = vector.shape_cast %swap3A_114 : vector<1x50x1000xf32> to vector<50x1000xf32>
    %swap3A_116 = vector.shape_cast %slice3A_110 : vector<50x1000xf32> to vector<1x50x1000xf32>
    tpu.vector_store %arg6[%swap3A_111, %swap3A_112, %swap3A_113], %swap3A_116 {strides = array<i32>} : memref<32x50x1000xf32, #tpu.memory_space<vmem>>, vector<1x50x1000xf32>,
    %slice3A_117 = vector.extract_strided_slice %add3A_13 {offsets = [750, 0], sizes = [50, 1000], strides = [1, 1]} : vector<1600x1000xf32> to vector<50x1000xf32>
    %swap3A_118 = arith.constant 15 : index
    %swap3A_119 = arith.constant 0 : index
    %swap3A_120 = arith.constant 0 : index
    %swap3A_121 = vector.load %arg6[%swap3A_118, %swap3A_119, %swap3A_120] : memref<32x50x1000xf32, #tpu.memory_space<vmem>>, vector<1x50x1000xf32>
    %swap3A_122 = vector.shape_cast %swap3A_121 : vector<1x50x1000xf32> to vector<50x1000xf32>
    %swap3A_123 = vector.shape_cast %slice3A_117 : vector<50x1000xf32> to vector<1x50x1000xf32>
    tpu.vector_store %arg6[%swap3A_118, %swap3A_119, %swap3A_120], %swap3A_123 {strides = array<i32>} : memref<32x50x1000xf32, #tpu.memory_space<vmem>>, vector<1x50x1000xf32>,
    %slice3A_124 = vector.extract_strided_slice %add3A_13 {offsets = [800, 0], sizes = [50, 1000], strides = [1, 1]} : vector<1600x1000xf32> to vector<50x1000xf32>
    %swap3A_125 = arith.constant 16 : index
    %swap3A_126 = arith.constant 0 : index
    %swap3A_127 = arith.constant 0 : index
    %swap3A_128 = vector.load %arg6[%swap3A_125, %swap3A_126, %swap3A_127] : memref<32x50x1000xf32, #tpu.memory_space<vmem>>, vector<1x50x1000xf32>
    %swap3A_129 = vector.shape_cast %swap3A_128 : vector<1x50x1000xf32> to vector<50x1000xf32>
    %swap3A_130 = vector.shape_cast %slice3A_124 : vector<50x1000xf32> to vector<1x50x1000xf32>
    tpu.vector_store %arg6[%swap3A_125, %swap3A_126, %swap3A_127], %swap3A_130 {strides = array<i32>} : memref<32x50x1000xf32, #tpu.memory_space<vmem>>, vector<1x50x1000xf32>,
    %slice3A_131 = vector.extract_strided_slice %add3A_13 {offsets = [850, 0], sizes = [50, 1000], strides = [1, 1]} : vector<1600x1000xf32> to vector<50x1000xf32>
    %swap3A_132 = arith.constant 17 : index
    %swap3A_133 = arith.constant 0 : index
    %swap3A_134 = arith.constant 0 : index
    %swap3A_135 = vector.load %arg6[%swap3A_132, %swap3A_133, %swap3A_134] : memref<32x50x1000xf32, #tpu.memory_space<vmem>>, vector<1x50x1000xf32>
    %swap3A_136 = vector.shape_cast %swap3A_135 : vector<1x50x1000xf32> to vector<50x1000xf32>
    %swap3A_137 = vector.shape_cast %slice3A_131 : vector<50x1000xf32> to vector<1x50x1000xf32>
    tpu.vector_store %arg6[%swap3A_132, %swap3A_133, %swap3A_134], %swap3A_137 {strides = array<i32>} : memref<32x50x1000xf32, #tpu.memory_space<vmem>>, vector<1x50x1000xf32>,
    %slice3A_138 = vector.extract_strided_slice %add3A_13 {offsets = [900, 0], sizes = [50, 1000], strides = [1, 1]} : vector<1600x1000xf32> to vector<50x1000xf32>
    %swap3A_139 = arith.constant 18 : index
    %swap3A_140 = arith.constant 0 : index
    %swap3A_141 = arith.constant 0 : index
    %swap3A_142 = vector.load %arg6[%swap3A_139, %swap3A_140, %swap3A_141] : memref<32x50x1000xf32, #tpu.memory_space<vmem>>, vector<1x50x1000xf32>
    %swap3A_143 = vector.shape_cast %swap3A_142 : vector<1x50x1000xf32> to vector<50x1000xf32>
    %swap3A_144 = vector.shape_cast %slice3A_138 : vector<50x1000xf32> to vector<1x50x1000xf32>
    tpu.vector_store %arg6[%swap3A_139, %swap3A_140, %swap3A_141], %swap3A_144 {strides = array<i32>} : memref<32x50x1000xf32, #tpu.memory_space<vmem>>, vector<1x50x1000xf32>,
    %slice3A_145 = vector.extract_strided_slice %add3A_13 {offsets = [950, 0], sizes = [50, 1000], strides = [1, 1]} : vector<1600x1000xf32> to vector<50x1000xf32>
    %swap3A_146 = arith.constant 19 : index
    %swap3A_147 = arith.constant 0 : index
    %swap3A_148 = arith.constant 0 : index
    %swap3A_149 = vector.load %arg6[%swap3A_146, %swap3A_147, %swap3A_148] : memref<32x50x1000xf32, #tpu.memory_space<vmem>>, vector<1x50x1000xf32>
    %swap3A_150 = vector.shape_cast %swap3A_149 : vector<1x50x1000xf32> to vector<50x1000xf32>
    %swap3A_151 = vector.shape_cast %slice3A_145 : vector<50x1000xf32> to vector<1x50x1000xf32>
    tpu.vector_store %arg6[%swap3A_146, %swap3A_147, %swap3A_148], %swap3A_151 {strides = array<i32>} : memref<32x50x1000xf32, #tpu.memory_space<vmem>>, vector<1x50x1000xf32>,
    %slice3A_152 = vector.extract_strided_slice %add3A_13 {offsets = [1000, 0], sizes = [50, 1000], strides = [1, 1]} : vector<1600x1000xf32> to vector<50x1000xf32>
    %swap3A_153 = arith.constant 20 : index
    %swap3A_154 = arith.constant 0 : index
    %swap3A_155 = arith.constant 0 : index
    %swap3A_156 = vector.load %arg6[%swap3A_153, %swap3A_154, %swap3A_155] : memref<32x50x1000xf32, #tpu.memory_space<vmem>>, vector<1x50x1000xf32>
    %swap3A_157 = vector.shape_cast %swap3A_156 : vector<1x50x1000xf32> to vector<50x1000xf32>
    %swap3A_158 = vector.shape_cast %slice3A_152 : vector<50x1000xf32> to vector<1x50x1000xf32>
    tpu.vector_store %arg6[%swap3A_153, %swap3A_154, %swap3A_155], %swap3A_158 {strides = array<i32>} : memref<32x50x1000xf32, #tpu.memory_space<vmem>>, vector<1x50x1000xf32>,
    %slice3A_159 = vector.extract_strided_slice %add3A_13 {offsets = [1050, 0], sizes = [50, 1000], strides = [1, 1]} : vector<1600x1000xf32> to vector<50x1000xf32>
    %swap3A_160 = arith.constant 21 : index
    %swap3A_161 = arith.constant 0 : index
    %swap3A_162 = arith.constant 0 : index
    %swap3A_163 = vector.load %arg6[%swap3A_160, %swap3A_161, %swap3A_162] : memref<32x50x1000xf32, #tpu.memory_space<vmem>>, vector<1x50x1000xf32>
    %swap3A_164 = vector.shape_cast %swap3A_163 : vector<1x50x1000xf32> to vector<50x1000xf32>
    %swap3A_165 = vector.shape_cast %slice3A_159 : vector<50x1000xf32> to vector<1x50x1000xf32>
    tpu.vector_store %arg6[%swap3A_160, %swap3A_161, %swap3A_162], %swap3A_165 {strides = array<i32>} : memref<32x50x1000xf32, #tpu.memory_space<vmem>>, vector<1x50x1000xf32>,
    %slice3A_166 = vector.extract_strided_slice %add3A_13 {offsets = [1100, 0], sizes = [50, 1000], strides = [1, 1]} : vector<1600x1000xf32> to vector<50x1000xf32>
    %swap3A_167 = arith.constant 22 : index
    %swap3A_168 = arith.constant 0 : index
    %swap3A_169 = arith.constant 0 : index
    %swap3A_170 = vector.load %arg6[%swap3A_167, %swap3A_168, %swap3A_169] : memref<32x50x1000xf32, #tpu.memory_space<vmem>>, vector<1x50x1000xf32>
    %swap3A_171 = vector.shape_cast %swap3A_170 : vector<1x50x1000xf32> to vector<50x1000xf32>
    %swap3A_172 = vector.shape_cast %slice3A_166 : vector<50x1000xf32> to vector<1x50x1000xf32>
    tpu.vector_store %arg6[%swap3A_167, %swap3A_168, %swap3A_169], %swap3A_172 {strides = array<i32>} : memref<32x50x1000xf32, #tpu.memory_space<vmem>>, vector<1x50x1000xf32>,
    %slice3A_173 = vector.extract_strided_slice %add3A_13 {offsets = [1150, 0], sizes = [50, 1000], strides = [1, 1]} : vector<1600x1000xf32> to vector<50x1000xf32>
    %swap3A_174 = arith.constant 23 : index
    %swap3A_175 = arith.constant 0 : index
    %swap3A_176 = arith.constant 0 : index
    %swap3A_177 = vector.load %arg6[%swap3A_174, %swap3A_175, %swap3A_176] : memref<32x50x1000xf32, #tpu.memory_space<vmem>>, vector<1x50x1000xf32>
    %swap3A_178 = vector.shape_cast %swap3A_177 : vector<1x50x1000xf32> to vector<50x1000xf32>
    %swap3A_179 = vector.shape_cast %slice3A_173 : vector<50x1000xf32> to vector<1x50x1000xf32>
    tpu.vector_store %arg6[%swap3A_174, %swap3A_175, %swap3A_176], %swap3A_179 {strides = array<i32>} : memref<32x50x1000xf32, #tpu.memory_space<vmem>>, vector<1x50x1000xf32>,
    %slice3A_180 = vector.extract_strided_slice %add3A_13 {offsets = [1200, 0], sizes = [50, 1000], strides = [1, 1]} : vector<1600x1000xf32> to vector<50x1000xf32>
    %swap3A_181 = arith.constant 24 : index
    %swap3A_182 = arith.constant 0 : index
    %swap3A_183 = arith.constant 0 : index
    %swap3A_184 = vector.load %arg6[%swap3A_181, %swap3A_182, %swap3A_183] : memref<32x50x1000xf32, #tpu.memory_space<vmem>>, vector<1x50x1000xf32>
    %swap3A_185 = vector.shape_cast %swap3A_184 : vector<1x50x1000xf32> to vector<50x1000xf32>
    %swap3A_186 = vector.shape_cast %slice3A_180 : vector<50x1000xf32> to vector<1x50x1000xf32>
    tpu.vector_store %arg6[%swap3A_181, %swap3A_182, %swap3A_183], %swap3A_186 {strides = array<i32>} : memref<32x50x1000xf32, #tpu.memory_space<vmem>>, vector<1x50x1000xf32>,
    %slice3A_187 = vector.extract_strided_slice %add3A_13 {offsets = [1250, 0], sizes = [50, 1000], strides = [1, 1]} : vector<1600x1000xf32> to vector<50x1000xf32>
    %swap3A_188 = arith.constant 25 : index
    %swap3A_189 = arith.constant 0 : index
    %swap3A_190 = arith.constant 0 : index
    %swap3A_191 = vector.load %arg6[%swap3A_188, %swap3A_189, %swap3A_190] : memref<32x50x1000xf32, #tpu.memory_space<vmem>>, vector<1x50x1000xf32>
    %swap3A_192 = vector.shape_cast %swap3A_191 : vector<1x50x1000xf32> to vector<50x1000xf32>
    %swap3A_193 = vector.shape_cast %slice3A_187 : vector<50x1000xf32> to vector<1x50x1000xf32>
    tpu.vector_store %arg6[%swap3A_188, %swap3A_189, %swap3A_190], %swap3A_193 {strides = array<i32>} : memref<32x50x1000xf32, #tpu.memory_space<vmem>>, vector<1x50x1000xf32>,
    %slice3A_194 = vector.extract_strided_slice %add3A_13 {offsets = [1300, 0], sizes = [50, 1000], strides = [1, 1]} : vector<1600x1000xf32> to vector<50x1000xf32>
    %swap3A_195 = arith.constant 26 : index
    %swap3A_196 = arith.constant 0 : index
    %swap3A_197 = arith.constant 0 : index
    %swap3A_198 = vector.load %arg6[%swap3A_195, %swap3A_196, %swap3A_197] : memref<32x50x1000xf32, #tpu.memory_space<vmem>>, vector<1x50x1000xf32>
    %swap3A_199 = vector.shape_cast %swap3A_198 : vector<1x50x1000xf32> to vector<50x1000xf32>
    %swap3A_200 = vector.shape_cast %slice3A_194 : vector<50x1000xf32> to vector<1x50x1000xf32>
    tpu.vector_store %arg6[%swap3A_195, %swap3A_196, %swap3A_197], %swap3A_200 {strides = array<i32>} : memref<32x50x1000xf32, #tpu.memory_space<vmem>>, vector<1x50x1000xf32>,
    %slice3A_201 = vector.extract_strided_slice %add3A_13 {offsets = [1350, 0], sizes = [50, 1000], strides = [1, 1]} : vector<1600x1000xf32> to vector<50x1000xf32>
    %swap3A_202 = arith.constant 27 : index
    %swap3A_203 = arith.constant 0 : index
    %swap3A_204 = arith.constant 0 : index
    %swap3A_205 = vector.load %arg6[%swap3A_202, %swap3A_203, %swap3A_204] : memref<32x50x1000xf32, #tpu.memory_space<vmem>>, vector<1x50x1000xf32>
    %swap3A_206 = vector.shape_cast %swap3A_205 : vector<1x50x1000xf32> to vector<50x1000xf32>
    %swap3A_207 = vector.shape_cast %slice3A_201 : vector<50x1000xf32> to vector<1x50x1000xf32>
    tpu.vector_store %arg6[%swap3A_202, %swap3A_203, %swap3A_204], %swap3A_207 {strides = array<i32>} : memref<32x50x1000xf32, #tpu.memory_space<vmem>>, vector<1x50x1000xf32>,
    %slice3A_208 = vector.extract_strided_slice %add3A_13 {offsets = [1400, 0], sizes = [50, 1000], strides = [1, 1]} : vector<1600x1000xf32> to vector<50x1000xf32>
    %swap3A_209 = arith.constant 28 : index
    %swap3A_210 = arith.constant 0 : index
    %swap3A_211 = arith.constant 0 : index
    %swap3A_212 = vector.load %arg6[%swap3A_209, %swap3A_210, %swap3A_211] : memref<32x50x1000xf32, #tpu.memory_space<vmem>>, vector<1x50x1000xf32>
    %swap3A_213 = vector.shape_cast %swap3A_212 : vector<1x50x1000xf32> to vector<50x1000xf32>
    %swap3A_214 = vector.shape_cast %slice3A_208 : vector<50x1000xf32> to vector<1x50x1000xf32>
    tpu.vector_store %arg6[%swap3A_209, %swap3A_210, %swap3A_211], %swap3A_214 {strides = array<i32>} : memref<32x50x1000xf32, #tpu.memory_space<vmem>>, vector<1x50x1000xf32>,
    %slice3A_215 = vector.extract_strided_slice %add3A_13 {offsets = [1450, 0], sizes = [50, 1000], strides = [1, 1]} : vector<1600x1000xf32> to vector<50x1000xf32>
    %swap3A_216 = arith.constant 29 : index
    %swap3A_217 = arith.constant 0 : index
    %swap3A_218 = arith.constant 0 : index
    %swap3A_219 = vector.load %arg6[%swap3A_216, %swap3A_217, %swap3A_218] : memref<32x50x1000xf32, #tpu.memory_space<vmem>>, vector<1x50x1000xf32>
    %swap3A_220 = vector.shape_cast %swap3A_219 : vector<1x50x1000xf32> to vector<50x1000xf32>
    %swap3A_221 = vector.shape_cast %slice3A_215 : vector<50x1000xf32> to vector<1x50x1000xf32>
    tpu.vector_store %arg6[%swap3A_216, %swap3A_217, %swap3A_218], %swap3A_221 {strides = array<i32>} : memref<32x50x1000xf32, #tpu.memory_space<vmem>>, vector<1x50x1000xf32>,
    %slice3A_222 = vector.extract_strided_slice %add3A_13 {offsets = [1500, 0], sizes = [50, 1000], strides = [1, 1]} : vector<1600x1000xf32> to vector<50x1000xf32>
    %swap3A_223 = arith.constant 30 : index
    %swap3A_224 = arith.constant 0 : index
    %swap3A_225 = arith.constant 0 : index
    %swap3A_226 = vector.load %arg6[%swap3A_223, %swap3A_224, %swap3A_225] : memref<32x50x1000xf32, #tpu.memory_space<vmem>>, vector<1x50x1000xf32>
    %swap3A_227 = vector.shape_cast %swap3A_226 : vector<1x50x1000xf32> to vector<50x1000xf32>
    %swap3A_228 = vector.shape_cast %slice3A_222 : vector<50x1000xf32> to vector<1x50x1000xf32>
    tpu.vector_store %arg6[%swap3A_223, %swap3A_224, %swap3A_225], %swap3A_228 {strides = array<i32>} : memref<32x50x1000xf32, #tpu.memory_space<vmem>>, vector<1x50x1000xf32>,
    %slice3A_229 = vector.extract_strided_slice %add3A_13 {offsets = [1550, 0], sizes = [50, 1000], strides = [1, 1]} : vector<1600x1000xf32> to vector<50x1000xf32>
    %swap3A_230 = arith.constant 31 : index
    %swap3A_231 = arith.constant 0 : index
    %swap3A_232 = arith.constant 0 : index
    %swap3A_233 = vector.load %arg6[%swap3A_230, %swap3A_231, %swap3A_232] : memref<32x50x1000xf32, #tpu.memory_space<vmem>>, vector<1x50x1000xf32>
    %swap3A_234 = vector.shape_cast %swap3A_233 : vector<1x50x1000xf32> to vector<50x1000xf32>
    %swap3A_235 = vector.shape_cast %slice3A_229 : vector<50x1000xf32> to vector<1x50x1000xf32>
    tpu.vector_store %arg6[%swap3A_230, %swap3A_231, %swap3A_232], %swap3A_235 {strides = array<i32>} : memref<32x50x1000xf32, #tpu.memory_space<vmem>>, vector<1x50x1000xf32>,
    return
  }
  func.func @transform_0(%arg0: i32) -> (i32, i32) {
    %c0_i32 = arith.constant 0 : i32
    %c0_i32_0 = arith.constant 0 : i32
    return %arg0, %c0_i32 : i32, i32
  }
  func.func @transform_1(%arg0: i32) -> (i32, i32) {
    %c0_i32 = arith.constant 0 : i32
    %c0_i32_0 = arith.constant 0 : i32
    %c0_i32_1 = arith.constant 0 : i32
    return %c0_i32, %c0_i32_0 : i32, i32
  }
  func.func @transform_2(%arg0: i32) -> (i32, i32) {
    %c0_i32 = arith.constant 0 : i32
    %c0_i32_0 = arith.constant 0 : i32
    %c0_i32_1 = arith.constant 0 : i32
    return %c0_i32, %c0_i32_0 : i32, i32
  }
  func.func @transform_3(%arg0: i32) -> (i32, i32) {
    %c0_i32 = arith.constant 0 : i32
    %c0_i32_0 = arith.constant 0 : i32
    %c0_i32_1 = arith.constant 0 : i32
    return %c0_i32, %c0_i32_0 : i32, i32
  }
  func.func @transform_5(%arg0: i32) -> (i32, i32, i32) {
    %add3A = arith.constant 16 : i32
    %add3A_0 = arith.addi %arg0, %add3A : i32
    %c0_i32 = arith.constant 0 : i32
    %c0_i32_1 = arith.constant 0 : i32
    %c0_i32_2 = arith.constant 0 : i32
    return %add3A_0, %c0_i32, %c0_i32_1 : i32, i32, i32
  }
}

</mosaic_0001>

<sc_bundles>
// kernel: kernel.6.cloned.1.call-start
scs
__scs_entry_jumppad:
0x0: {  	(pc) =	sbr.rel $0x88, $3  }
0x1: {  	(tag) =	ssettag $0x0;
	lr =	simm.s32 $0x1  }
0x2: {  	[smem:$0x3F9C] =	sst lr;
	_ =	strace $0xD0000000  }
0x3: {  	_ = 	snop  }
0x4: {  	_ = 	snop  }
0x5: {  	_ = 	snop  }
0x6: {  	_ = 	snop  }
0x7: {  	_ = 	snop  }
__scs_overlays_trampoline_lowered:
0x8: {  	[smem:$0x3FAB] =	sst s0  }
0x9: {  	[smem:$0x3FAC] =	sst s1  }
0xa: {  	[smem:$0x3FAD] =	sst s2  }
0xb: {  	[smem:$0x3FAE] =	sst s3  }
0xc: {  	[smem:$0x3FAF] =	sst s4  }
0xd: {  	[smem:$0x3FB0] =	sst s5  }
0xe: {  	[smem:$0x3FB1] =	sst s6  }
0xf: {  	[smem:$0x3FB2] =	sst s7  }
0x10: {  	[smem:$0x3FB3] =	sst s8  }
0x11: {  	[smem:$0x3FB4] =	sst s9;
	s0 =	simm.s32 @!p0 $0x0  }
0x12: {  	s1 =	sld [smem:$0x3F9A];
	s0 =	simm.s32 @p0 $0x1  }
0x13: {  	[smem:$0x3FB5] =	sst s0;
	s0 =	simm.s32 @!p1 $0x0  }
0x14: {  	s2 =	sld [smem:$0x3F99];
	s0 =	simm.s32 @p1 $0x1  }
0x15: {  	[smem:$0x3FB6] =	sst s0;
	s0 =	simm.s32 @!p2 $0x0  }
0x16: {  	s3 =	sld [smem:$0x3FDB];
	s0 =	simm.s32 @p2 $0x1  }
0x17: {  	s4 =	simm.s32 $0x1BF5;
	[smem:$0x3FB8] =	sst s0  }
0x18: {  	s0 =	sld [smem:$0x3F9B];
	_ =	swait.ge [sflag:s4], $0x0  }
0x19: {  	s7 =	sld [smem:$0x3F9C]  }
0x1a: {  	s8 =	sadd.s32 $0xFFFFE003, lr  }
0x1b: {  	s9 =	sadd.s32 $0xFFFFFEF7, lr;
	s5 =	simm.s32 $0xFFFFFFFF;
	p2 =	slt.u32 s8, $0xFFFFF086  }
0x1c: {  	p1 =	slt.u32 s9, $0xF7A;
	s5 =	simm.s32 @!p2 $0x0  }
0x1d: {  	s5 =	simm.s32 @p1 $0x1;
	p0 =	seq.s32 s7, s2  }
0x1e: {  	s7 =	smul.u32 @!p0 $0xF7A, s2;
	p2 =	seq.s32 @!p0 s5, $0x0  }
0x1f: {  	s9 =	smul.u32 $0xF7A, s1;
	s8 =	simm.s32 @!p0 $0x1BF5;
	p2 =	por !p2, p0  }
0x20: {  	[sflag:s8] =	ssyncset.s32 @!p0 $0xFFFFF086;
	s6 =	sadd.s32 @!p0 s3, s7;
	s7 =	simm.s32 @!p0 $0x108  }
0x21: {  	s3 =	sadd.s32 s3, s9;
	s6 =	sadd.s32 @!p0 $0x88, s6;
	s7 =	simm.s32 @p2 $0x1082  }
0x22: {  	[simem:s7], [sflag:s8] =	dma.local @!p0 [hbm:s6], $0xF7A  }
0x23: {  	s9 =	sor.u32 $0xD0000000, s2;
	s6 =	simm.s32 $0x108;
	_ =	swait.ge @!p0 [sflag:s8], $0x0  }
0x24: {  	s3 =	sadd.s32 $0x88, s3;
	s6 =	simm.s32 @!p1 $0x1082;
	[sflag:s4] =	ssyncset.s32 $0xFFFFF086  }
0x25: {  	[simem:s6], [sflag:s4] =	dma.local [hbm:s3], $0xF7A  }
0x26: {  	[smem:$0x3F9C] =	sst s1;
	(tag) =	ssettag s2;
	_ =	strace s9  }
0x27: {  	s1 =	sld [smem:$0x3FAC]  }
0x28: {  	s2 =	sld [smem:$0x3FAD]  }
0x29: {  	s4 =	sld [smem:$0x3FAF]  }
0x2a: {  	p0 =	seq.s32 s5, $0x0;
	s5 =	sld [smem:$0x3FB0]  }
0x2b: {  	s6 =	sld [smem:$0x3FB1]  }
0x2c: {  	s7 =	sld [smem:$0x3FB2]  }
0x2d: {  	s3 =	simm.s32 $0x108;
	s8 =	sld [smem:$0x3FB3]  }
0x2e: {  	s3 =	simm.s32 @!p0 $0x1082;
	s9 =	sld [smem:$0x3FB4]  }
0x2f: {  	lr =	sadd.s32 s0, s3;
	s0 =	sld [smem:$0x3FAB]  }
0x30: {  	s3 =	sld [smem:$0x3FAE]  }
0x31: {  	[smem:$0x3FB7] =	sst s10  }
0x32: {  	s10 =	sld [smem:$0x3FB5];
	_ =	sdelay $0x3  }
0x33: {  	p0 =	seq.s32 s10, $0x1;
	s10 =	sld [smem:$0x3FB7];
	_ =	sdelay $0x3  }
0x34: {  	[smem:$0x3FB7] =	sst s10  }
0x35: {  	s10 =	sld [smem:$0x3FB6];
	_ =	sdelay $0x3  }
0x36: {  	p1 =	seq.s32 s10, $0x1;
	s10 =	sld [smem:$0x3FB7];
	_ =	sdelay $0x3  }
0x37: {  	[smem:$0x3FB7] =	sst s10  }
0x38: {  	s10 =	sld [smem:$0x3FB8]  }
0x39: {  	_ = 	snop;
	(pc) =	sbr.ind lr, $3  }
0x3a: {  	_ = 	snop  }
0x3b: {  	_ = 	snop  }
0x3c: {  	p2 =	seq.s32 s10, $0x1;
	s10 =	sld [smem:$0x3FB7]  }
0x3d: {  	_ =	shalt  }
0x3e: {  	_ =	shalt  }
0x3f: {  	_ =	shalt  }
0x40: {  	_ =	shalt  }
0x41: {  	_ =	shalt  }
0x42: {  	_ =	shalt  }
0x43: {  	_ =	shalt  }
0x44: {  	_ =	shalt  }
0x45: {  	_ =	shalt  }
0x46: {  	_ =	shalt  }
0x47: {  	_ =	shalt  }
0x48: {  	_ =	shalt  }
0x49: {  	_ =	shalt  }
0x4a: {  	_ =	shalt  }
0x4b: {  	_ =	shalt  }
0x4c: {  	_ =	shalt  }
0x4d: {  	_ =	shalt  }
0x4e: {  	_ =	shalt  }
0x4f: {  	_ =	shalt  }
0x50: {  	_ =	shalt  }
0x51: {  	_ =	shalt  }
0x52: {  	_ =	shalt  }
0x53: {  	_ =	shalt  }
0x54: {  	_ =	shalt  }
0x55: {  	_ =	shalt  }
0x56: {  	_ =	shalt  }
0x57: {  	_ =	shalt  }
0x58: {  	_ =	shalt  }
0x59: {  	_ =	shalt  }
0x5a: {  	_ =	shalt  }
0x5b: {  	_ =	shalt  }
0x5c: {  	_ =	shalt  }
0x5d: {  	_ =	shalt  }
0x5e: {  	_ =	shalt  }
0x5f: {  	_ =	shalt  }
0x60: {  	_ =	shalt  }
0x61: {  	_ =	shalt  }
0x62: {  	_ =	shalt  }
0x63: {  	_ =	shalt  }
0x64: {  	_ =	shalt  }
0x65: {  	_ =	shalt  }
0x66: {  	_ =	shalt  }
0x67: {  	_ =	shalt  }
0x68: {  	_ =	shalt  }
0x69: {  	_ =	shalt  }
0x6a: {  	_ =	shalt  }
0x6b: {  	_ =	shalt  }
0x6c: {  	_ =	shalt  }
0x6d: {  	_ =	shalt  }
0x6e: {  	_ =	shalt  }
0x6f: {  	_ =	shalt  }
0x70: {  	_ =	shalt  }
0x71: {  	_ =	shalt  }
0x72: {  	_ =	shalt  }
0x73: {  	_ =	shalt  }
0x74: {  	_ =	shalt  }
0x75: {  	_ =	shalt  }
0x76: {  	_ =	shalt  }
0x77: {  	_ =	shalt  }
0x78: {  	_ =	shalt  }
0x79: {  	_ =	shalt  }
0x7a: {  	_ =	shalt  }
0x7b: {  	_ =	shalt  }
0x7c: {  	_ =	shalt  }
0x7d: {  	_ =	shalt  }
0x7e: {  	_ =	shalt  }
0x7f: {  	_ =	shalt  }
0x80: {  	_ =	shalt  }
0x81: {  	_ =	shalt  }
0x82: {  	_ =	shalt  }
0x83: {  	_ =	shalt  }
0x84: {  	_ =	shalt  }
0x85: {  	_ =	shalt  }
0x86: {  	_ =	shalt  }
0x87: {  	_ =	shalt  }
.Lfunc_end0:
.L_simem_size_0:
called_computation_lowered:
.L_overlay_start_0:
0x88: {  	s2 =	sld [smem:$0x3FD9]  }
0x89: {  	s3 =	sld [smem:$0x3FFE];
	_ =	sdelay $0x1  }
0x8a: {  	s1 =	srdreg.scid  }
0x8b: {  	s0 =	sand.u32 $0x1, s1  }
0x8c: {  	s17 =	sshll.u32 s0, $0xA;
	s2 =	sadd.s32 s3, s2  }
0x8d: {  	s2 =	sadd.s32 s2, s17  }
0x8e: {  	[smem:$0x3FC3] =	sst s2  }
0x8f: {  	_ = 	snop  }
0x90: {  	s2 =	sld [smem:$0x3FC8];
	(tm) =	ssettm $0x1  }
0x91: {  	s18 =	sld [smem:$0x3FFB];
	_ =	sdelay $0x3  }
0x92: {  	_ =	strace s18  }
0x93: {  	s3 =	sld [smem:$0x3FFC];
	_ =	sdelay $0x3  }
0x94: {  	_ =	strace s3  }
0x95: {  	s3 =	sld [smem:$0x3FFD];
	_ =	sdelay $0x3  }
0x96: {  	_ =	strace s3  }
0x97: {  	_ =	strace $0x8FFFFFFF  }
0x98: {  	s19 =	sld [smem:$0x3FDB];
	_ =	sdelay $0x1  }
0x99: {  	s4 =	simm.s32 $_scs_section_size  }
0x9a: {  	s5 =	simm.s32 $_size__tile_overlayer_lowered;
	s6 =	simm.s32 $_tile_overlayer_lowered  }
0x9b: {  	s22 =	simm.s32 $0x1BFF;
	s21 =	sshll.u32 s6, $0x1;
	s3 =	sadd.s32 s4, s19  }
0x9c: {  	s7 =	simm.s32 $0x0;
	s20 =	sshll.u32 s5, $0x1;
	s5 =	sadd.s32 s21, s3  }
0x9d: {  	[timem:s7], [sflag:s22] =	dma.local [hbm:s5], s20  }
0x9e: {  	_ =	swait.ge [sflag:s22], s20  }
0x9f: {  	s4 =	ssub.s32 $0x0, s20;
	[sflag:s22] =	ssyncset.done $0x0  }
0xa0: {  	[sflag:s22] =	ssyncadd.s32 s4;
	_ =	sdelay $0x1  }
0xa1: {  	s23 =	simm.s32 $0x1B8B  }
0xa2: {  	_ =	swait.ge [sflag:s23], $0x1  }
0xa3: {  	[sflag:s23] =	ssyncset.done $0x0  }
0xa4: {  	s25 =	simm.s32 $0x1B8E;
	s24 =	sld [smem:$0x3FFE];
	[sflag:s23] =	ssyncadd.s32 $0xFFFFFFFF  }
0xa5: {  	s26 =	simm.s32 $execute0_lowered;
	[smem:$0x3FD2] =	sst s25  }
0xa6: {  	s5 =	sshll.u32 s26, $0x1;
	_ =	strace $0x80000046;
	[dreg:$0x1] =	wrdreg $0xFFFFFFFF  }
0xa7: {  	s28 =	simm.s32 $_size_execute0_lowered;
	s3 =	sadd.s32 s3, s5;
	[dreg:$0x0] =	wrdreg $0x0  }
0xa8: {  	s5 =	sshll.u32 s28, $0x1;
	[dreg:$0x2] =	wrdreg s3  }
0xa9: {  	[dreg:$0x3] =	wrdreg s5  }
0xaa: {  	[dreg:$0x4] =	wrdreg $0xC0  }
0xab: {  	_ =	task [dreg:s7], $0x5FFFF  }
0xac: {  	[dreg:$0x1] =	wrdreg $0xFFFFFFFF  }
0xad: {  	[dreg:$0x0] =	wrdreg $0x60  }
0xae: {  	[dreg:$0x2] =	wrdreg s24  }
0xaf: {  	[dreg:$0x3] =	wrdreg s2  }
0xb0: {  	[dreg:$0x4] =	wrdreg $0x53800  }
0xb1: {  	[dreg:$0x5] =	wrdreg $0x9  }
0xb2: {  	_ =	task.clear_ibuf [dreg:s7], $0x6FFFF;
	_ =	strace $0x90000046  }
0xb3: {  	s29 =	simm.s32 $0x9;
	_ =	strace $0x80000048  }
0xb4: {  	_ =	swait.ge [sflag:s29], $0x1  }
0xb5: {  	[sflag:s29] =	ssyncadd.s32 $0xFFFFFFFF  }
0xb6: {  	_ =	strace $0x90000048  }
0xb7: {  	_ =	sfence  }
0xb8: {  	s30 =	sld [smem:$0x0];
	_ =	sdelay $0x2  }
0xb9: {  	s31 =	sshll.u32 s1, $0xD;
	s1 =	sshrl.u32 s1, $0x2  }
0xba: {  	s3 =	sand.u32 $0x4000, s31;
	s1 =	sadd.s32 s1, s30  }
0xbb: {  	s0 =	sor.u32 s3, s0;
	s1 =	sshll.u32 s1, $0x11  }
0xbc: {  	s0 =	sor.u32 s1, s0  }
0xbd: {  	s0 =	sadd.s32 $0x8F2B, s0  }
0xbe: {  	[sflag:s0] =	ssyncadd.remote.s32 $0x1  }
0xbf: {  	_ =	sfence.sel $0xFFFF  }
0xc0: {  	[dreg:$0x0] =	wrdreg $0xFFFFFFFF;
	(pc) =	sbr.abs _section_cstart, $3  }
0xc1: {  	[dreg:$0x1] =	wrdreg $0xFFFFFFFF  }
0xc2: {  	_ =	task.clear_ibuf [dreg:s7], $0x2FFFF;
	_ =	strace $0x9FFFFFFF  }
0xc3: {  	(tm) =	ssettm $0x7FFFFFFF  }
tec
execute0_lowered:
.L_overlay_start_1:
0x0: {  	(tag) =	ssettag $0x1  }
0x1: {  	s11 =	rddreg [dreg:$0x0]  }
0x2: {  	s1 =	srdreg.scid;
	s3 =	stileid.u32  }
0x3: {  	s0 =	rddreg [dreg:$0x1];
	s30 =	sand.u32 $0x1, s1;
	s26 =	sshll.u32 s3, $0x1  }
0x4: {  	[dreg:$0x4] =	wrdreg s0;
	s9 =	sor.u32 s30, s26  }
0x5: {  	s2 =	simm.s32 $0x0;
	s1 =	rddreg [dreg:$0x2];
	s4 =	smul.u32 $0x64, s9  }
0x6: {  	[smem:$0x7FF] =	sst s2  }
0x7: {  	p0 =	sne.s32 s3, $0x0;
	_ =	strace $0x80000047;
	s4 =	sadd.s32 s4, s11  }
0x8: {  	s3 =	sshrl.u32 @!p0 s1, $0x3;
	s6 =	rddreg [dreg:$0x4];
	s4 =	sadd.s32 $0xE00, s4  }
0x9: {  	s5 =	simm.s32 @!p0 $0x3;
	[dreg:$0x5] =	wrdreg s4;
	s4 =	simm.s32 @!p0 $0x1C03  }
0xa: {  	[spmem:s3], [sflag:s4] =	dma.local @!p0 [hbm:s6], $0x3E80  }
0xb: {  	_ =	swait.ge @!p0 [sflag:s5], $0x3E80  }
0xc: {  	[sflag:s5] =	ssyncset.done @!p0 $0x0  }
0xd: {  	s6 =	simm.s32 $0x3;
	s7 =	rddreg [dreg:$0x5];
	[sflag:s5] =	ssyncadd.s32 @!p0 $0xFFFFC180  }
0xe: {  	[tilespmem:s2], [sflag:$0x3] =	stream.linear.gather [hbm4b:s7+s2], $0x320, $0x38;
	[tilespmem:$0x72C0] =	vst v63  }
0xf: {  	_ =	swait.ge [sflag:s6], $0x320  }
0x10: {  	[sflag:s6] =	ssyncset.done $0x0  }
0x11: {  	[sflag:s6] =	ssyncadd.s32 $0xFFFFFCE0  }
0x12: {  	s8 =	simm.s32 $0x380;
	s7 =	simm.s32 $0x50;
	[bflag:$0x0] =	sbarrier.arrive $0xFFFF  }
0x13: {  	[tilespmem:s8], [sflag:$0x1] =	stream.indirect.gather [spmem:s1], $0x80, s2, s7, $0xb8;
	[tilespmem:$0x72C0] =	vst v63  }
0x14: {  	s10 =	simm.s32 $0x1;
	s12 =	smul.u32 $0x3200, s9;
	s9 =	simm.s32 $0x2B80  }
0x15: {  	[tilespmem:s9], [sflag:$0x2] =	stream.indirect.gather [spmem:s1], $0x80, s7, s7, $0xb8;
	[tilespmem:$0x72C0] =	vst v63  }
0x16: {  	_ =	swait.ge [sflag:s10], $0x2800  }
0x17: {  	s31 =	sadd.s32 s12, s11;
	[sflag:s10] =	ssyncset.done $0x0  }
0x18: {  	s11 =	sadd.s32 $0x1C00, s31;
	[sflag:s10] =	ssyncadd.s32 $0xFFFFD800  }
0x19: {  	[hbm4b:s11+s2] =	stream.linear.scatter [tilespmem:s8], [sflag:$0x3], $0x2800, $0x38;
	[tilespmem:$0x72C0] =	vst v63  }
0x1a: {  	_ =	swait.ge [sflag:s6], $0x2800  }
0x1b: {  	[sflag:s6] =	ssyncset.done $0x0  }
0x1c: {  	s12 =	simm.s32 $0x2;
	[sflag:s6] =	ssyncadd.s32 $0xFFFFD800  }
0x1d: {  	_ =	swait.ge [sflag:s12], $0x2800  }
0x1e: {  	[sflag:s12] =	ssyncset.done $0x0  }
0x1f: {  	s13 =	sadd.s32 $0x2100, s31;
	[sflag:s12] =	ssyncadd.s32 $0xFFFFD800  }
0x20: {  	[hbm4b:s13+s2] =	stream.linear.scatter [tilespmem:s9], [sflag:$0x3], $0x2800, $0x38;
	[tilespmem:$0x72C0] =	vst v63  }
0x21: {  	_ =	swait.ge [sflag:s6], $0x2800  }
0x22: {  	[sflag:s6] =	ssyncset.done $0x0  }
0x23: {  	s14 =	simm.s32 $0xA0;
	[sflag:s6] =	ssyncadd.s32 $0xFFFFD800  }
0x24: {  	[tilespmem:s8], [sflag:$0x1] =	stream.indirect.gather [spmem:s1], $0x80, s14, s7, $0xb8;
	[tilespmem:$0x72C0] =	vst v63  }
0x25: {  	s15 =	simm.s32 $0xF0  }
0x26: {  	[tilespmem:s9], [sflag:$0x2] =	stream.indirect.gather [spmem:s1], $0x80, s15, s7, $0xb8;
	[tilespmem:$0x72C0] =	vst v63  }
0x27: {  	_ =	swait.ge [sflag:s10], $0x2800  }
0x28: {  	[sflag:s10] =	ssyncset.done $0x0  }
0x29: {  	s16 =	sadd.s32 $0x2600, s31;
	[sflag:s10] =	ssyncadd.s32 $0xFFFFD800  }
0x2a: {  	[hbm4b:s16+s2] =	stream.linear.scatter [tilespmem:s8], [sflag:$0x3], $0x2800, $0x38;
	[tilespmem:$0x72C0] =	vst v63  }
0x2b: {  	_ =	swait.ge [sflag:s6], $0x2800  }
0x2c: {  	[sflag:s6] =	ssyncset.done $0x0  }
0x2d: {  	[sflag:s6] =	ssyncadd.s32 $0xFFFFD800  }
0x2e: {  	_ =	swait.ge [sflag:s12], $0x2800  }
0x2f: {  	[sflag:s12] =	ssyncset.done $0x0  }
0x30: {  	s17 =	sadd.s32 $0x2B00, s31;
	[sflag:s12] =	ssyncadd.s32 $0xFFFFD800  }
0x31: {  	[hbm4b:s17+s2] =	stream.linear.scatter [tilespmem:s9], [sflag:$0x3], $0x2800, $0x38;
	[tilespmem:$0x72C0] =	vst v63  }
0x32: {  	_ =	swait.ge [sflag:s6], $0x2800  }
0x33: {  	[sflag:s6] =	ssyncset.done $0x0  }
0x34: {  	s18 =	simm.s32 $0x140;
	[sflag:s6] =	ssyncadd.s32 $0xFFFFD800  }
0x35: {  	[tilespmem:s8], [sflag:$0x1] =	stream.indirect.gather [spmem:s1], $0x80, s18, s7, $0xb8;
	[tilespmem:$0x72C0] =	vst v63  }
0x36: {  	s19 =	simm.s32 $0x190  }
0x37: {  	[tilespmem:s9], [sflag:$0x2] =	stream.indirect.gather [spmem:s1], $0x80, s19, s7, $0xb8;
	[tilespmem:$0x72C0] =	vst v63  }
0x38: {  	_ =	swait.ge [sflag:s10], $0x2800  }
0x39: {  	[sflag:s10] =	ssyncset.done $0x0  }
0x3a: {  	s20 =	sadd.s32 $0x3000, s31;
	[sflag:s10] =	ssyncadd.s32 $0xFFFFD800  }
0x3b: {  	[hbm4b:s20+s2] =	stream.linear.scatter [tilespmem:s8], [sflag:$0x3], $0x2800, $0x38;
	[tilespmem:$0x72C0] =	vst v63  }
0x3c: {  	_ =	swait.ge [sflag:s6], $0x2800  }
0x3d: {  	[sflag:s6] =	ssyncset.done $0x0  }
0x3e: {  	[sflag:s6] =	ssyncadd.s32 $0xFFFFD800  }
0x3f: {  	_ =	swait.ge [sflag:s12], $0x2800  }
0x40: {  	[sflag:s12] =	ssyncset.done $0x0  }
0x41: {  	s21 =	sadd.s32 $0x3500, s31;
	[sflag:s12] =	ssyncadd.s32 $0xFFFFD800  }
0x42: {  	[hbm4b:s21+s2] =	stream.linear.scatter [tilespmem:s9], [sflag:$0x3], $0x2800, $0x38;
	[tilespmem:$0x72C0] =	vst v63  }
0x43: {  	_ =	swait.ge [sflag:s6], $0x2800  }
0x44: {  	[sflag:s6] =	ssyncset.done $0x0  }
0x45: {  	s22 =	simm.s32 $0x1E0;
	[sflag:s6] =	ssyncadd.s32 $0xFFFFD800  }
0x46: {  	[tilespmem:s8], [sflag:$0x1] =	stream.indirect.gather [spmem:s1], $0x80, s22, s7, $0xb8;
	[tilespmem:$0x72C0] =	vst v63  }
0x47: {  	s23 =	simm.s32 $0x230  }
0x48: {  	[tilespmem:s9], [sflag:$0x2] =	stream.indirect.gather [spmem:s1], $0x80, s23, s7, $0xb8;
	[tilespmem:$0x72C0] =	vst v63  }
0x49: {  	_ =	swait.ge [sflag:s10], $0x2800  }
0x4a: {  	[sflag:s10] =	ssyncset.done $0x0  }
0x4b: {  	s24 =	sadd.s32 $0x3A00, s31;
	[sflag:s10] =	ssyncadd.s32 $0xFFFFD800  }
0x4c: {  	[hbm4b:s24+s2] =	stream.linear.scatter [tilespmem:s8], [sflag:$0x3], $0x2800, $0x38;
	[tilespmem:$0x72C0] =	vst v63  }
0x4d: {  	_ =	swait.ge [sflag:s6], $0x2800  }
0x4e: {  	[sflag:s6] =	ssyncset.done $0x0  }
0x4f: {  	[sflag:s6] =	ssyncadd.s32 $0xFFFFD800  }
0x50: {  	_ =	swait.ge [sflag:s12], $0x2800  }
0x51: {  	[sflag:s12] =	ssyncset.done $0x0  }
0x52: {  	s25 =	sadd.s32 $0x3F00, s31;
	[sflag:s12] =	ssyncadd.s32 $0xFFFFD800  }
0x53: {  	[hbm4b:s25+s2] =	stream.linear.scatter [tilespmem:s9], [sflag:$0x3], $0x2800, $0x38;
	[tilespmem:$0x72C0] =	vst v63  }
0x54: {  	_ =	swait.ge [sflag:s6], $0x2800  }
0x55: {  	[sflag:s6] =	ssyncset.done $0x0  }
0x56: {  	s26 =	simm.s32 $0x280;
	[sflag:s6] =	ssyncadd.s32 $0xFFFFD800  }
0x57: {  	[tilespmem:s8], [sflag:$0x1] =	stream.indirect.gather [spmem:s1], $0x80, s26, s7, $0xb8;
	[tilespmem:$0x72C0] =	vst v63  }
0x58: {  	s28 =	simm.s32 $0x2D0  }
0x59: {  	[tilespmem:s9], [sflag:$0x2] =	stream.indirect.gather [spmem:s1], $0x80, s28, s7, $0xb8;
	[tilespmem:$0x72C0] =	vst v63  }
0x5a: {  	s30 =	ssub.s32 $0x2, s30;
	_ =	swait.ge [sflag:s10], $0x2800  }
0x5b: {  	s0 =	sshrl.u32 s30, $0x1;
	[sflag:s10] =	ssyncset.done $0x0  }
0x5c: {  	s0 =	ssub.s32 s30, s0;
	s29 =	sadd.s32 $0x4400, s31;
	[sflag:s10] =	ssyncadd.s32 $0xFFFFD800  }
0x5d: {  	[hbm4b:s29+s2] =	stream.linear.scatter [tilespmem:s8], [sflag:$0x3], $0x2800, $0x38;
	[tilespmem:$0x72C0] =	vst v63  }
0x5e: {  	s0 =	smax.u32 s0, $0x1;
	_ =	swait.ge [sflag:s6], $0x2800  }
0x5f: {  	s30 =	sadd.s32 $0x4900, s31;
	s31 =	sadd.s32 $0xFFFFFFFF, s0;
	[sflag:s6] =	ssyncset.done $0x0  }
0x60: {  	p1 =	sne.s32 s31, $0x0;
	[sflag:s6] =	ssyncadd.s32 $0xFFFFD800  }
.Ltmp0:
0x61: {  	_ =	swait.ge [sflag:s12], $0x2800;
	(pc) =	sbr.rel @!p1 .LBB2_2-.Ltmp0, $4  }
0x62: {  	[sflag:s12] =	ssyncset.done $0x0  }
0x63: {  	[sflag:s12] =	ssyncadd.s32 $0xFFFFD800  }
0x64: {  	[hbm4b:s30+s2] =	stream.linear.scatter [tilespmem:s9], [sflag:$0x3], $0x2800, $0x38;
	[tilespmem:$0x72C0] =	vst v63  }
0x65: {  	_ =	swait.ge [sflag:s6], $0x2800  }
.LBB2_1:
0x66: {  	[sflag:s6] =	ssyncset.done $0x0  }
0x67: {  	s0 =	rddreg [dreg:$0x4];
	[sflag:s6] =	ssyncadd.s32 $0xFFFFD800  }
0x68: {  	[spmem:s3], [sflag:s4] =	dma.local @!p0 [hbm:s0], $0x3E80  }
0x69: {  	_ =	swait.ge @!p0 [sflag:s5], $0x3E80  }
0x6a: {  	[sflag:s5] =	ssyncset.done @!p0 $0x0  }
0x6b: {  	s0 =	rddreg [dreg:$0x5];
	[sflag:s5] =	ssyncadd.s32 @!p0 $0xFFFFC180  }
0x6c: {  	[tilespmem:s2], [sflag:$0x3] =	stream.linear.gather [hbm4b:s0+s2], $0x320, $0x38;
	[tilespmem:$0x72C0] =	vst v63  }
0x6d: {  	_ =	swait.ge [sflag:s6], $0x320  }
0x6e: {  	[sflag:s6] =	ssyncset.done $0x0  }
0x6f: {  	[sflag:s6] =	ssyncadd.s32 $0xFFFFFCE0  }
0x70: {  	[bflag:$0x0] =	sbarrier.arrive $0xFFFF  }
0x71: {  	[tilespmem:s8], [sflag:$0x1] =	stream.indirect.gather [spmem:s1], $0x80, s2, s7, $0xb8;
	[tilespmem:$0x72C0] =	vst v63  }
0x72: {  	_ = 	snop  }
0x73: {  	[tilespmem:s9], [sflag:$0x2] =	stream.indirect.gather [spmem:s1], $0x80, s7, s7, $0xb8;
	[tilespmem:$0x72C0] =	vst v63  }
0x74: {  	_ =	swait.ge [sflag:s10], $0x2800  }
0x75: {  	[sflag:s10] =	ssyncset.done $0x0  }
0x76: {  	[sflag:s10] =	ssyncadd.s32 $0xFFFFD800  }
0x77: {  	[hbm4b:s11+s2] =	stream.linear.scatter [tilespmem:s8], [sflag:$0x3], $0x2800, $0x38;
	[tilespmem:$0x72C0] =	vst v63  }
0x78: {  	_ =	swait.ge [sflag:s6], $0x2800  }
0x79: {  	[sflag:s6] =	ssyncset.done $0x0  }
0x7a: {  	[sflag:s6] =	ssyncadd.s32 $0xFFFFD800  }
0x7b: {  	_ =	swait.ge [sflag:s12], $0x2800  }
0x7c: {  	[sflag:s12] =	ssyncset.done $0x0  }
0x7d: {  	[sflag:s12] =	ssyncadd.s32 $0xFFFFD800  }
0x7e: {  	[hbm4b:s13+s2] =	stream.linear.scatter [tilespmem:s9], [sflag:$0x3], $0x2800, $0x38;
	[tilespmem:$0x72C0] =	vst v63  }
0x7f: {  	_ =	swait.ge [sflag:s6], $0x2800  }
0x80: {  	[sflag:s6] =	ssyncset.done $0x0  }
0x81: {  	[sflag:s6] =	ssyncadd.s32 $0xFFFFD800  }
0x82: {  	[tilespmem:s8], [sflag:$0x1] =	stream.indirect.gather [spmem:s1], $0x80, s14, s7, $0xb8;
	[tilespmem:$0x72C0] =	vst v63  }
0x83: {  	_ = 	snop  }
0x84: {  	[tilespmem:s9], [sflag:$0x2] =	stream.indirect.gather [spmem:s1], $0x80, s15, s7, $0xb8;
	[tilespmem:$0x72C0] =	vst v63  }
0x85: {  	_ =	swait.ge [sflag:s10], $0x2800  }
0x86: {  	[sflag:s10] =	ssyncset.done $0x0  }
0x87: {  	[sflag:s10] =	ssyncadd.s32 $0xFFFFD800  }
0x88: {  	[hbm4b:s16+s2] =	stream.linear.scatter [tilespmem:s8], [sflag:$0x3], $0x2800, $0x38;
	[tilespmem:$0x72C0] =	vst v63  }
0x89: {  	_ =	swait.ge [sflag:s6], $0x2800  }
0x8a: {  	[sflag:s6] =	ssyncset.done $0x0  }
0x8b: {  	[sflag:s6] =	ssyncadd.s32 $0xFFFFD800  }
0x8c: {  	_ =	swait.ge [sflag:s12], $0x2800  }
0x8d: {  	[sflag:s12] =	ssyncset.done $0x0  }
0x8e: {  	[sflag:s12] =	ssyncadd.s32 $0xFFFFD800  }
0x8f: {  	[hbm4b:s17+s2] =	stream.linear.scatter [tilespmem:s9], [sflag:$0x3], $0x2800, $0x38;
	[tilespmem:$0x72C0] =	vst v63  }
0x90: {  	_ =	swait.ge [sflag:s6], $0x2800  }
0x91: {  	[sflag:s6] =	ssyncset.done $0x0  }
0x92: {  	[sflag:s6] =	ssyncadd.s32 $0xFFFFD800  }
0x93: {  	[tilespmem:s8], [sflag:$0x1] =	stream.indirect.gather [spmem:s1], $0x80, s18, s7, $0xb8;
	[tilespmem:$0x72C0] =	vst v63  }
0x94: {  	_ = 	snop  }
0x95: {  	[tilespmem:s9], [sflag:$0x2] =	stream.indirect.gather [spmem:s1], $0x80, s19, s7, $0xb8;
	[tilespmem:$0x72C0] =	vst v63  }
0x96: {  	_ =	swait.ge [sflag:s10], $0x2800  }
0x97: {  	[sflag:s10] =	ssyncset.done $0x0  }
0x98: {  	[sflag:s10] =	ssyncadd.s32 $0xFFFFD800  }
0x99: {  	[hbm4b:s20+s2] =	stream.linear.scatter [tilespmem:s8], [sflag:$0x3], $0x2800, $0x38;
	[tilespmem:$0x72C0] =	vst v63  }
0x9a: {  	_ =	swait.ge [sflag:s6], $0x2800  }
0x9b: {  	[sflag:s6] =	ssyncset.done $0x0  }
0x9c: {  	[sflag:s6] =	ssyncadd.s32 $0xFFFFD800  }
0x9d: {  	_ =	swait.ge [sflag:s12], $0x2800  }
0x9e: {  	[sflag:s12] =	ssyncset.done $0x0  }
0x9f: {  	[sflag:s12] =	ssyncadd.s32 $0xFFFFD800  }
0xa0: {  	[hbm4b:s21+s2] =	stream.linear.scatter [tilespmem:s9], [sflag:$0x3], $0x2800, $0x38;
	[tilespmem:$0x72C0] =	vst v63  }
0xa1: {  	_ =	swait.ge [sflag:s6], $0x2800  }
0xa2: {  	[sflag:s6] =	ssyncset.done $0x0  }
0xa3: {  	[sflag:s6] =	ssyncadd.s32 $0xFFFFD800  }
0xa4: {  	[tilespmem:s8], [sflag:$0x1] =	stream.indirect.gather [spmem:s1], $0x80, s22, s7, $0xb8;
	[tilespmem:$0x72C0] =	vst v63  }
0xa5: {  	_ = 	snop  }
0xa6: {  	[tilespmem:s9], [sflag:$0x2] =	stream.indirect.gather [spmem:s1], $0x80, s23, s7, $0xb8;
	[tilespmem:$0x72C0] =	vst v63  }
0xa7: {  	_ =	swait.ge [sflag:s10], $0x2800  }
0xa8: {  	[sflag:s10] =	ssyncset.done $0x0  }
0xa9: {  	[sflag:s10] =	ssyncadd.s32 $0xFFFFD800  }
0xaa: {  	[hbm4b:s24+s2] =	stream.linear.scatter [tilespmem:s8], [sflag:$0x3], $0x2800, $0x38;
	[tilespmem:$0x72C0] =	vst v63  }
0xab: {  	_ =	swait.ge [sflag:s6], $0x2800  }
0xac: {  	[sflag:s6] =	ssyncset.done $0x0  }
0xad: {  	[sflag:s6] =	ssyncadd.s32 $0xFFFFD800  }
0xae: {  	_ =	swait.ge [sflag:s12], $0x2800  }
0xaf: {  	[sflag:s12] =	ssyncset.done $0x0  }
0xb0: {  	[sflag:s12] =	ssyncadd.s32 $0xFFFFD800  }
0xb1: {  	[hbm4b:s25+s2] =	stream.linear.scatter [tilespmem:s9], [sflag:$0x3], $0x2800, $0x38;
	[tilespmem:$0x72C0] =	vst v63  }
0xb2: {  	_ =	swait.ge [sflag:s6], $0x2800  }
0xb3: {  	[sflag:s6] =	ssyncset.done $0x0  }
0xb4: {  	[sflag:s6] =	ssyncadd.s32 $0xFFFFD800  }
0xb5: {  	[tilespmem:s8], [sflag:$0x1] =	stream.indirect.gather [spmem:s1], $0x80, s26, s7, $0xb8;
	[tilespmem:$0x72C0] =	vst v63  }
0xb6: {  	_ = 	snop  }
0xb7: {  	[tilespmem:s9], [sflag:$0x2] =	stream.indirect.gather [spmem:s1], $0x80, s28, s7, $0xb8;
	[tilespmem:$0x72C0] =	vst v63  }
0xb8: {  	_ =	swait.ge [sflag:s10], $0x2800  }
0xb9: {  	[sflag:s10] =	ssyncset.done $0x0  }
0xba: {  	[sflag:s10] =	ssyncadd.s32 $0xFFFFD800  }
0xbb: {  	[hbm4b:s29+s2] =	stream.linear.scatter [tilespmem:s8], [sflag:$0x3], $0x2800, $0x38;
	[tilespmem:$0x72C0] =	vst v63  }
0xbc: {  	_ =	swait.ge [sflag:s6], $0x2800  }
0xbd: {  	s31 =	sadd.s32 $0xFFFFFFFF, s31;
	[sflag:s6] =	ssyncset.done $0x0  }
0xbe: {  	p1 =	sne.s32 s31, $0x0;
	[sflag:s6] =	ssyncadd.s32 $0xFFFFD800  }
.Ltmp1:
0xbf: {  	_ =	swait.ge [sflag:s12], $0x2800;
	(pc) =	sbr.rel @p1 .LBB2_1-.Ltmp1, $4  }
0xc0: {  	[sflag:s12] =	ssyncset.done $0x0  }
0xc1: {  	[sflag:s12] =	ssyncadd.s32 $0xFFFFD800  }
0xc2: {  	[hbm4b:s30+s2] =	stream.linear.scatter [tilespmem:s9], [sflag:$0x3], $0x2800, $0x38;
	[tilespmem:$0x72C0] =	vst v63  }
0xc3: {  	_ =	swait.ge [sflag:s6], $0x2800  }
.LBB2_2:
0xc4: {  	[sflag:s6] =	ssyncset.done $0x0  }
0xc5: {  	[sflag:s6] =	ssyncadd.s32 $0xFFFFD800  }
0xc6: {  	_ =	sfence.sel $0x180000  }
0xc7: {  	[bflag:$0x0] =	sbarrier.arrive $0xFFFF  }
0xc8: {  	_ =	strace $0x90000047  }
0xc9: {  	[bflag:$0x2] =	sbarrier.arrive $0xFFFF  }
0xca: {  	s0 =	rddreg [dreg:$0x3]  }
0xcb: {  	s0 =	sadd.s32 @!p0 $0x100000, s0  }
0xcc: {  	[sflag:s0] =	ssyncadd.tile.s32 @!p0 $0x1;
	_ =	shalt  }
.Lfunc_end2:
_tile_overlayer_lowered:
.L_overlay_start_2:
0xcd: {  	(tag) =	ssettag $0x2  }
0xce: {  	s0 =	rddreg [dreg:$0x0];
	s2 =	stileid.u32  }
0xcf: {  	s1 =	rddreg [dreg:$0x1];
	p0 =	sne.s32 s2, $0x0  }
0xd0: {  	s3 =	rddreg [dreg:$0x2];
	[bflag:$0x3] =	sbarrier.arrive $0xFFFF;
	s2 =	simm.s32 @!p0 $0x1C03  }
0xd1: {  	[timem:s3], [sflag:s2] =	dma.local @!p0 [hbm:s0], s1  }
0xd2: {  	s0 =	simm.s32 @!p0 $0x3  }
0xd3: {  	_ =	swait.ge @!p0 [sflag:s0], s1  }
0xd4: {  	s1 =	ssub.s32 @!p0 $0x0, s1;
	[sflag:s0] =	ssyncset.done @!p0 $0x0  }
0xd5: {  	[sflag:s0] =	ssyncadd.s32 @!p0 s1  }
0xd6: {  	[bflag:$0x3] =	sbarrier.arrive $0xFFFF  }
0xd7: {  	_ =	shalt  }

// kernel: kernel.9.cloned.1.call-start
scs
__scs_entry_jumppad:
0x0: {  	(pc) =	sbr.rel $0x88, $3  }
0x1: {  	(tag) =	ssettag $0x0;
	lr =	simm.s32 $0x1  }
0x2: {  	[smem:$0x3F9C] =	sst lr;
	_ =	strace $0xD0000000  }
0x3: {  	_ = 	snop  }
0x4: {  	_ = 	snop  }
0x5: {  	_ = 	snop  }
0x6: {  	_ = 	snop  }
0x7: {  	_ = 	snop  }
__scs_overlays_trampoline_lowered:
0x8: {  	[smem:$0x3FAB] =	sst s0  }
0x9: {  	[smem:$0x3FAC] =	sst s1  }
0xa: {  	[smem:$0x3FAD] =	sst s2  }
0xb: {  	[smem:$0x3FAE] =	sst s3  }
0xc: {  	[smem:$0x3FAF] =	sst s4  }
0xd: {  	[smem:$0x3FB0] =	sst s5  }
0xe: {  	[smem:$0x3FB1] =	sst s6  }
0xf: {  	[smem:$0x3FB2] =	sst s7  }
0x10: {  	[smem:$0x3FB3] =	sst s8  }
0x11: {  	[smem:$0x3FB4] =	sst s9;
	s0 =	simm.s32 @!p0 $0x0  }
0x12: {  	s1 =	sld [smem:$0x3F9A];
	s0 =	simm.s32 @p0 $0x1  }
0x13: {  	[smem:$0x3FB5] =	sst s0;
	s0 =	simm.s32 @!p1 $0x0  }
0x14: {  	s2 =	sld [smem:$0x3F99];
	s0 =	simm.s32 @p1 $0x1  }
0x15: {  	[smem:$0x3FB6] =	sst s0;
	s0 =	simm.s32 @!p2 $0x0  }
0x16: {  	s3 =	sld [smem:$0x3FDB];
	s0 =	simm.s32 @p2 $0x1  }
0x17: {  	s4 =	simm.s32 $0x1BF5;
	[smem:$0x3FB8] =	sst s0  }
0x18: {  	s0 =	sld [smem:$0x3F9B];
	_ =	swait.ge [sflag:s4], $0x0  }
0x19: {  	s7 =	sld [smem:$0x3F9C]  }
0x1a: {  	s8 =	sadd.s32 $0xFFFFE003, lr  }
0x1b: {  	s9 =	sadd.s32 $0xFFFFFEF7, lr;
	s5 =	simm.s32 $0xFFFFFFFF;
	p2 =	slt.u32 s8, $0xFFFFF086  }
0x1c: {  	p1 =	slt.u32 s9, $0xF7A;
	s5 =	simm.s32 @!p2 $0x0  }
0x1d: {  	s5 =	simm.s32 @p1 $0x1;
	p0 =	seq.s32 s7, s2  }
0x1e: {  	s7 =	smul.u32 @!p0 $0xF7A, s2;
	p2 =	seq.s32 @!p0 s5, $0x0  }
0x1f: {  	s9 =	smul.u32 $0xF7A, s1;
	s8 =	simm.s32 @!p0 $0x1BF5;
	p2 =	por !p2, p0  }
0x20: {  	[sflag:s8] =	ssyncset.s32 @!p0 $0xFFFFF086;
	s6 =	sadd.s32 @!p0 s3, s7;
	s7 =	simm.s32 @!p0 $0x108  }
0x21: {  	s3 =	sadd.s32 s3, s9;
	s6 =	sadd.s32 @!p0 $0x88, s6;
	s7 =	simm.s32 @p2 $0x1082  }
0x22: {  	[simem:s7], [sflag:s8] =	dma.local @!p0 [hbm:s6], $0xF7A  }
0x23: {  	s9 =	sor.u32 $0xD0000000, s2;
	s6 =	simm.s32 $0x108;
	_ =	swait.ge @!p0 [sflag:s8], $0x0  }
0x24: {  	s3 =	sadd.s32 $0x88, s3;
	s6 =	simm.s32 @!p1 $0x1082;
	[sflag:s4] =	ssyncset.s32 $0xFFFFF086  }
0x25: {  	[simem:s6], [sflag:s4] =	dma.local [hbm:s3], $0xF7A  }
0x26: {  	[smem:$0x3F9C] =	sst s1;
	(tag) =	ssettag s2;
	_ =	strace s9  }
0x27: {  	s1 =	sld [smem:$0x3FAC]  }
0x28: {  	s2 =	sld [smem:$0x3FAD]  }
0x29: {  	s4 =	sld [smem:$0x3FAF]  }
0x2a: {  	p0 =	seq.s32 s5, $0x0;
	s5 =	sld [smem:$0x3FB0]  }
0x2b: {  	s6 =	sld [smem:$0x3FB1]  }
0x2c: {  	s7 =	sld [smem:$0x3FB2]  }
0x2d: {  	s3 =	simm.s32 $0x108;
	s8 =	sld [smem:$0x3FB3]  }
0x2e: {  	s3 =	simm.s32 @!p0 $0x1082;
	s9 =	sld [smem:$0x3FB4]  }
0x2f: {  	lr =	sadd.s32 s0, s3;
	s0 =	sld [smem:$0x3FAB]  }
0x30: {  	s3 =	sld [smem:$0x3FAE]  }
0x31: {  	[smem:$0x3FB7] =	sst s10  }
0x32: {  	s10 =	sld [smem:$0x3FB5];
	_ =	sdelay $0x3  }
0x33: {  	p0 =	seq.s32 s10, $0x1;
	s10 =	sld [smem:$0x3FB7];
	_ =	sdelay $0x3  }
0x34: {  	[smem:$0x3FB7] =	sst s10  }
0x35: {  	s10 =	sld [smem:$0x3FB6];
	_ =	sdelay $0x3  }
0x36: {  	p1 =	seq.s32 s10, $0x1;
	s10 =	sld [smem:$0x3FB7];
	_ =	sdelay $0x3  }
0x37: {  	[smem:$0x3FB7] =	sst s10  }
0x38: {  	s10 =	sld [smem:$0x3FB8]  }
0x39: {  	_ = 	snop;
	(pc) =	sbr.ind lr, $3  }
0x3a: {  	_ = 	snop  }
0x3b: {  	_ = 	snop  }
0x3c: {  	p2 =	seq.s32 s10, $0x1;
	s10 =	sld [smem:$0x3FB7]  }
0x3d: {  	_ =	shalt  }
0x3e: {  	_ =	shalt  }
0x3f: {  	_ =	shalt  }
0x40: {  	_ =	shalt  }
0x41: {  	_ =	shalt  }
0x42: {  	_ =	shalt  }
0x43: {  	_ =	shalt  }
0x44: {  	_ =	shalt  }
0x45: {  	_ =	shalt  }
0x46: {  	_ =	shalt  }
0x47: {  	_ =	shalt  }
0x48: {  	_ =	shalt  }
0x49: {  	_ =	shalt  }
0x4a: {  	_ =	shalt  }
0x4b: {  	_ =	shalt  }
0x4c: {  	_ =	shalt  }
0x4d: {  	_ =	shalt  }
0x4e: {  	_ =	shalt  }
0x4f: {  	_ =	shalt  }
0x50: {  	_ =	shalt  }
0x51: {  	_ =	shalt  }
0x52: {  	_ =	shalt  }
0x53: {  	_ =	shalt  }
0x54: {  	_ =	shalt  }
0x55: {  	_ =	shalt  }
0x56: {  	_ =	shalt  }
0x57: {  	_ =	shalt  }
0x58: {  	_ =	shalt  }
0x59: {  	_ =	shalt  }
0x5a: {  	_ =	shalt  }
0x5b: {  	_ =	shalt  }
0x5c: {  	_ =	shalt  }
0x5d: {  	_ =	shalt  }
0x5e: {  	_ =	shalt  }
0x5f: {  	_ =	shalt  }
0x60: {  	_ =	shalt  }
0x61: {  	_ =	shalt  }
0x62: {  	_ =	shalt  }
0x63: {  	_ =	shalt  }
0x64: {  	_ =	shalt  }
0x65: {  	_ =	shalt  }
0x66: {  	_ =	shalt  }
0x67: {  	_ =	shalt  }
0x68: {  	_ =	shalt  }
0x69: {  	_ =	shalt  }
0x6a: {  	_ =	shalt  }
0x6b: {  	_ =	shalt  }
0x6c: {  	_ =	shalt  }
0x6d: {  	_ =	shalt  }
0x6e: {  	_ =	shalt  }
0x6f: {  	_ =	shalt  }
0x70: {  	_ =	shalt  }
0x71: {  	_ =	shalt  }
0x72: {  	_ =	shalt  }
0x73: {  	_ =	shalt  }
0x74: {  	_ =	shalt  }
0x75: {  	_ =	shalt  }
0x76: {  	_ =	shalt  }
0x77: {  	_ =	shalt  }
0x78: {  	_ =	shalt  }
0x79: {  	_ =	shalt  }
0x7a: {  	_ =	shalt  }
0x7b: {  	_ =	shalt  }
0x7c: {  	_ =	shalt  }
0x7d: {  	_ =	shalt  }
0x7e: {  	_ =	shalt  }
0x7f: {  	_ =	shalt  }
0x80: {  	_ =	shalt  }
0x81: {  	_ =	shalt  }
0x82: {  	_ =	shalt  }
0x83: {  	_ =	shalt  }
0x84: {  	_ =	shalt  }
0x85: {  	_ =	shalt  }
0x86: {  	_ =	shalt  }
0x87: {  	_ =	shalt  }
.Lfunc_end0:
.L_simem_size_0:
called_computation.1_lowered:
.L_overlay_start_0:
0x88: {  	s2 =	sld [smem:$0x3FD9]  }
0x89: {  	s3 =	sld [smem:$0x3FFE];
	_ =	sdelay $0x1  }
0x8a: {  	s1 =	srdreg.scid  }
0x8b: {  	s0 =	sand.u32 $0x1, s1  }
0x8c: {  	s17 =	sshll.u32 s0, $0xA;
	s2 =	sadd.s32 s3, s2  }
0x8d: {  	s2 =	sadd.s32 s2, s17  }
0x8e: {  	[smem:$0x3FC3] =	sst s2  }
0x8f: {  	_ = 	snop  }
0x90: {  	s18 =	sld [smem:$0x3FC8]  }
0x91: {  	s4 =	sld [smem:$0x3FD0];
	(tm) =	ssettm $0x1  }
0x92: {  	s19 =	sld [smem:$0x3FFB];
	_ =	sdelay $0x3  }
0x93: {  	_ =	strace s19  }
0x94: {  	s2 =	sld [smem:$0x3FFC];
	_ =	sdelay $0x3  }
0x95: {  	_ =	strace s2  }
0x96: {  	s2 =	sld [smem:$0x3FFD];
	_ =	sdelay $0x3  }
0x97: {  	_ =	strace s2  }
0x98: {  	_ =	strace $0x8FFFFFFF  }
0x99: {  	s20 =	sld [smem:$0x3FDB];
	_ =	sdelay $0x1  }
0x9a: {  	s5 =	simm.s32 $_scs_section_size  }
0x9b: {  	s6 =	simm.s32 $_size__tile_overlayer_lowered;
	s7 =	simm.s32 $_tile_overlayer_lowered  }
0x9c: {  	s8 =	simm.s32 $0x1BFF;
	s21 =	sshll.u32 s7, $0x1;
	s5 =	sadd.s32 s5, s20  }
0x9d: {  	s22 =	simm.s32 $0x0;
	s6 =	sshll.u32 s6, $0x1;
	s7 =	sadd.s32 s21, s5  }
0x9e: {  	[timem:s22], [sflag:s8] =	dma.local [hbm:s7], s6  }
0x9f: {  	_ =	swait.ge [sflag:s8], s6  }
0xa0: {  	s6 =	ssub.s32 $0x0, s6;
	[sflag:s8] =	ssyncset.done $0x0  }
0xa1: {  	[sflag:s8] =	ssyncadd.s32 s6;
	_ =	sdelay $0x1  }
0xa2: {  	s23 =	simm.s32 $0x1B8B  }
0xa3: {  	_ =	swait.ge [sflag:s23], $0x1  }
0xa4: {  	[sflag:s23] =	ssyncset.done $0x0  }
0xa5: {  	[sflag:s23] =	ssyncadd.s32 $0xFFFFFFFF  }
0xa6: {  	s6 =	sld [smem:$0x0]  }
0xa7: {  	s7 =	sand.u32 $0xFFFFFFFE, s1  }
0xa8: {  	p0 =	sne.s32 s1, s7  }
0xa9: {  	s7 =	sshll.u32 @p0 s7, $0xE  }
0xaa: {  	s7 =	sadd.s32 @p0 $0x11B8D, s7;
	s8 =	sshll.u32 @p0 s6, $0x11  }
0xab: {  	s7 =	sor.u32 @p0 s8, s7  }
0xac: {  	[sflag:s7] =	ssyncadd.remote.s32 @p0 $0x1;
	_ =	sdelay $0x1  }
0xad: {  	s7 =	simm.s32 @p0 $0x1B8D  }
0xae: {  	_ =	swait.eq @p0 [sflag:s7], $0x1  }
0xaf: {  	[sflag:s7] =	ssyncadd.s32 @p0 $0xFFFFFFFF  }
0xb0: {  	s8 =	sshll.u32 @!p0 s1, $0xE  }
0xb1: {  	s8 =	sor.u32 @!p0 $0x4000, s8;
	s7 =	simm.s32 @!p0 $0x1B8D  }
0xb2: {  	s6 =	sshll.u32 @!p0 s6, $0x11;
	s8 =	sadd.s32 @!p0 $0x11B8D, s8;
	_ =	swait.eq @!p0 [sflag:s7], $0x1  }
0xb3: {  	s6 =	sor.u32 @!p0 s6, s8;
	[sflag:s7] =	ssyncadd.s32 @!p0 $0xFFFFFFFF  }
0xb4: {  	s25 =	simm.s32 $0x1B8E;
	s24 =	sld [smem:$0x3FFE];
	[sflag:s6] =	ssyncadd.remote.s32 @!p0 $0x1  }
0xb5: {  	s26 =	simm.s32 $execute0_lowered;
	[smem:$0x3FD2] =	sst s25  }
0xb6: {  	s7 =	sshll.u32 s26, $0x1;
	_ =	strace $0x80000049;
	[dreg:$0x1] =	wrdreg $0xFFFFFFFF  }
0xb7: {  	s28 =	simm.s32 $_size_execute0_lowered;
	s5 =	sadd.s32 s5, s7;
	[dreg:$0x0] =	wrdreg $0x0  }
0xb8: {  	s7 =	sshll.u32 s28, $0x1;
	[dreg:$0x2] =	wrdreg s5  }
0xb9: {  	[dreg:$0x3] =	wrdreg s7  }
0xba: {  	[dreg:$0x4] =	wrdreg $0xC0  }
0xbb: {  	_ =	task [dreg:s22], $0x5FFFF  }
0xbc: {  	[dreg:$0x1] =	wrdreg $0xFFFFFFFF  }
0xbd: {  	[dreg:$0x0] =	wrdreg $0x60  }
0xbe: {  	[dreg:$0x2] =	wrdreg s24  }
0xbf: {  	[dreg:$0x3] =	wrdreg s18  }
0xc0: {  	[dreg:$0x4] =	wrdreg s4  }
0xc1: {  	[dreg:$0x5] =	wrdreg $0x53800  }
0xc2: {  	[dreg:$0x6] =	wrdreg $0xA  }
0xc3: {  	_ =	task.clear_ibuf [dreg:s22], $0x7FFFF;
	_ =	strace $0x90000049  }
0xc4: {  	s29 =	simm.s32 $0xA;
	_ =	strace $0x8000004B  }
0xc5: {  	_ =	swait.ge [sflag:s29], $0x1  }
0xc6: {  	[sflag:s29] =	ssyncadd.s32 $0xFFFFFFFF  }
0xc7: {  	_ =	strace $0x9000004B  }
0xc8: {  	_ =	sfence  }
0xc9: {  	s30 =	sld [smem:$0x0];
	_ =	sdelay $0x2  }
0xca: {  	s31 =	sshll.u32 s1, $0xD;
	s1 =	sshrl.u32 s1, $0x2  }
0xcb: {  	s4 =	sand.u32 $0x4000, s31;
	s1 =	sadd.s32 s1, s30  }
0xcc: {  	s0 =	sor.u32 s4, s0;
	s1 =	sshll.u32 s1, $0x11  }
0xcd: {  	s0 =	sor.u32 s1, s0  }
0xce: {  	s0 =	sadd.s32 $0x8F2B, s0  }
0xcf: {  	[sflag:s0] =	ssyncadd.remote.s32 $0x1  }
0xd0: {  	_ =	sfence.sel $0xFFFF  }
0xd1: {  	[dreg:$0x0] =	wrdreg $0xFFFFFFFF;
	(pc) =	sbr.abs _section_cstart, $3  }
0xd2: {  	[dreg:$0x1] =	wrdreg $0xFFFFFFFF  }
0xd3: {  	_ =	task.clear_ibuf [dreg:s22], $0x2FFFF;
	_ =	strace $0x9FFFFFFF  }
0xd4: {  	(tm) =	ssettm $0x7FFFFFFF  }
0xd5: {  	_ =	shalt  }
tec
execute0_lowered:
.L_overlay_start_1:
0x0: {  	(tag) =	ssettag $0x1  }
0x1: {  	s3 =	rddreg [dreg:$0x0]  }
0x2: {  	s0 =	rddreg [dreg:$0x1]  }
0x3: {  	s25 =	srdreg.scid;
	s4 =	stileid.u32  }
0x4: {  	s11 =	rddreg [dreg:$0x2];
	s30 =	sand.u32 $0x1, s25;
	s26 =	sshll.u32 s4, $0x1  }
0x5: {  	s1 =	rddreg [dreg:$0x3];
	s12 =	sor.u32 s30, s26  }
0x6: {  	s2 =	simm.s32 $0x0;
	[dreg:$0x5] =	wrdreg s0;
	s5 =	smul.u32 $0x64, s12  }
0x7: {  	[smem:$0x7FF] =	sst s2  }
0x8: {  	p0 =	sne.s32 s4, $0x0;
	_ =	strace $0x8000004A;
	s3 =	sadd.s32 s5, s3  }
0x9: {  	s4 =	simm.s32 @!p0 $0x1C03;
	s6 =	rddreg [dreg:$0x5];
	s3 =	sadd.s32 $0x65C00, s3  }
0xa: {  	s5 =	simm.s32 @!p0 $0x3;
	[dreg:$0x6] =	wrdreg s3;
	s3 =	sshrl.u32 @!p0 s1, $0x3  }
0xb: {  	[spmem:s3], [sflag:s4] =	dma.local @!p0 [hbm:s6], $0x3E80  }
0xc: {  	_ =	swait.ge @!p0 [sflag:s5], $0x3E80  }
0xd: {  	[sflag:s5] =	ssyncset.done @!p0 $0x0  }
0xe: {  	s6 =	simm.s32 $0x3;
	s7 =	rddreg [dreg:$0x6];
	[sflag:s5] =	ssyncadd.s32 @!p0 $0xFFFFC180  }
0xf: {  	[tilespmem:s2], [sflag:$0x3] =	stream.linear.gather [hbm4b:s7+s2], $0x320, $0x38;
	[tilespmem:$0x72C0] =	vst v63  }
0x10: {  	_ =	swait.ge [sflag:s6], $0x320  }
0x11: {  	[sflag:s6] =	ssyncset.done $0x0  }
0x12: {  	[sflag:s6] =	ssyncadd.s32 $0xFFFFFCE0  }
0x13: {  	s8 =	simm.s32 $0x380;
	s7 =	simm.s32 $0x50;
	[bflag:$0x0] =	sbarrier.arrive $0xFFFF  }
0x14: {  	[tilespmem:s8], [sflag:$0x1] =	stream.indirect.gather [spmem:s1], $0x80, s2, s7, $0xb8;
	[tilespmem:$0x72C0] =	vst v63  }
0x15: {  	s9 =	simm.s32 $0x2B80;
	s10 =	simm.s32 $0x1  }
0x16: {  	[tilespmem:s9], [sflag:$0x2] =	stream.indirect.gather [spmem:s1], $0x80, s7, s7, $0xb8;
	[tilespmem:$0x72C0] =	vst v63  }
0x17: {  	s12 =	smul.u32 $0x3200, s12;
	_ =	swait.ge [sflag:s10], $0x2800  }
0x18: {  	[sflag:s10] =	ssyncset.done $0x0  }
0x19: {  	s11 =	sadd.s32 s11, s12;
	[sflag:s10] =	ssyncadd.s32 $0xFFFFD800  }
0x1a: {  	[hbm4b:s11+s2] =	stream.linear.scatter [tilespmem:s8], [sflag:$0x3], $0x2800, $0x38;
	[tilespmem:$0x72C0] =	vst v63  }
0x1b: {  	_ =	swait.ge [sflag:s6], $0x2800  }
0x1c: {  	[sflag:s6] =	ssyncset.done $0x0  }
0x1d: {  	s12 =	simm.s32 $0x2;
	[sflag:s6] =	ssyncadd.s32 $0xFFFFD800  }
0x1e: {  	_ =	swait.ge [sflag:s12], $0x2800  }
0x1f: {  	[sflag:s12] =	ssyncset.done $0x0  }
0x20: {  	s13 =	sadd.s32 $0x500, s11;
	[sflag:s12] =	ssyncadd.s32 $0xFFFFD800  }
0x21: {  	[hbm4b:s13+s2] =	stream.linear.scatter [tilespmem:s9], [sflag:$0x3], $0x2800, $0x38;
	[tilespmem:$0x72C0] =	vst v63  }
0x22: {  	_ =	swait.ge [sflag:s6], $0x2800  }
0x23: {  	[sflag:s6] =	ssyncset.done $0x0  }
0x24: {  	s14 =	simm.s32 $0xA0;
	[sflag:s6] =	ssyncadd.s32 $0xFFFFD800  }
0x25: {  	[tilespmem:s8], [sflag:$0x1] =	stream.indirect.gather [spmem:s1], $0x80, s14, s7, $0xb8;
	[tilespmem:$0x72C0] =	vst v63  }
0x26: {  	s15 =	simm.s32 $0xF0  }
0x27: {  	[tilespmem:s9], [sflag:$0x2] =	stream.indirect.gather [spmem:s1], $0x80, s15, s7, $0xb8;
	[tilespmem:$0x72C0] =	vst v63  }
0x28: {  	_ =	swait.ge [sflag:s10], $0x2800  }
0x29: {  	[sflag:s10] =	ssyncset.done $0x0  }
0x2a: {  	s16 =	sadd.s32 $0xA00, s11;
	[sflag:s10] =	ssyncadd.s32 $0xFFFFD800  }
0x2b: {  	[hbm4b:s16+s2] =	stream.linear.scatter [tilespmem:s8], [sflag:$0x3], $0x2800, $0x38;
	[tilespmem:$0x72C0] =	vst v63  }
0x2c: {  	_ =	swait.ge [sflag:s6], $0x2800  }
0x2d: {  	[sflag:s6] =	ssyncset.done $0x0  }
0x2e: {  	[sflag:s6] =	ssyncadd.s32 $0xFFFFD800  }
0x2f: {  	_ =	swait.ge [sflag:s12], $0x2800  }
0x30: {  	[sflag:s12] =	ssyncset.done $0x0  }
0x31: {  	s17 =	sadd.s32 $0xF00, s11;
	[sflag:s12] =	ssyncadd.s32 $0xFFFFD800  }
0x32: {  	[hbm4b:s17+s2] =	stream.linear.scatter [tilespmem:s9], [sflag:$0x3], $0x2800, $0x38;
	[tilespmem:$0x72C0] =	vst v63  }
0x33: {  	_ =	swait.ge [sflag:s6], $0x2800  }
0x34: {  	[sflag:s6] =	ssyncset.done $0x0  }
0x35: {  	s18 =	simm.s32 $0x140;
	[sflag:s6] =	ssyncadd.s32 $0xFFFFD800  }
0x36: {  	[tilespmem:s8], [sflag:$0x1] =	stream.indirect.gather [spmem:s1], $0x80, s18, s7, $0xb8;
	[tilespmem:$0x72C0] =	vst v63  }
0x37: {  	s19 =	simm.s32 $0x190  }
0x38: {  	[tilespmem:s9], [sflag:$0x2] =	stream.indirect.gather [spmem:s1], $0x80, s19, s7, $0xb8;
	[tilespmem:$0x72C0] =	vst v63  }
0x39: {  	_ =	swait.ge [sflag:s10], $0x2800  }
0x3a: {  	[sflag:s10] =	ssyncset.done $0x0  }
0x3b: {  	s20 =	sadd.s32 $0x1400, s11;
	[sflag:s10] =	ssyncadd.s32 $0xFFFFD800  }
0x3c: {  	[hbm4b:s20+s2] =	stream.linear.scatter [tilespmem:s8], [sflag:$0x3], $0x2800, $0x38;
	[tilespmem:$0x72C0] =	vst v63  }
0x3d: {  	_ =	swait.ge [sflag:s6], $0x2800  }
0x3e: {  	[sflag:s6] =	ssyncset.done $0x0  }
0x3f: {  	[sflag:s6] =	ssyncadd.s32 $0xFFFFD800  }
0x40: {  	_ =	swait.ge [sflag:s12], $0x2800  }
0x41: {  	[sflag:s12] =	ssyncset.done $0x0  }
0x42: {  	s21 =	sadd.s32 $0x1900, s11;
	[sflag:s12] =	ssyncadd.s32 $0xFFFFD800  }
0x43: {  	[hbm4b:s21+s2] =	stream.linear.scatter [tilespmem:s9], [sflag:$0x3], $0x2800, $0x38;
	[tilespmem:$0x72C0] =	vst v63  }
0x44: {  	_ =	swait.ge [sflag:s6], $0x2800  }
0x45: {  	[sflag:s6] =	ssyncset.done $0x0  }
0x46: {  	s22 =	simm.s32 $0x1E0;
	[sflag:s6] =	ssyncadd.s32 $0xFFFFD800  }
0x47: {  	[tilespmem:s8], [sflag:$0x1] =	stream.indirect.gather [spmem:s1], $0x80, s22, s7, $0xb8;
	[tilespmem:$0x72C0] =	vst v63  }
0x48: {  	s23 =	simm.s32 $0x230  }
0x49: {  	[tilespmem:s9], [sflag:$0x2] =	stream.indirect.gather [spmem:s1], $0x80, s23, s7, $0xb8;
	[tilespmem:$0x72C0] =	vst v63  }
0x4a: {  	_ =	swait.ge [sflag:s10], $0x2800  }
0x4b: {  	[sflag:s10] =	ssyncset.done $0x0  }
0x4c: {  	s24 =	sadd.s32 $0x1E00, s11;
	[sflag:s10] =	ssyncadd.s32 $0xFFFFD800  }
0x4d: {  	[hbm4b:s24+s2] =	stream.linear.scatter [tilespmem:s8], [sflag:$0x3], $0x2800, $0x38;
	[tilespmem:$0x72C0] =	vst v63  }
0x4e: {  	_ =	swait.ge [sflag:s6], $0x2800  }
0x4f: {  	[sflag:s6] =	ssyncset.done $0x0  }
0x50: {  	[sflag:s6] =	ssyncadd.s32 $0xFFFFD800  }
0x51: {  	_ =	swait.ge [sflag:s12], $0x2800  }
0x52: {  	[sflag:s12] =	ssyncset.done $0x0  }
0x53: {  	s25 =	sadd.s32 $0x2300, s11;
	[sflag:s12] =	ssyncadd.s32 $0xFFFFD800  }
0x54: {  	[hbm4b:s25+s2] =	stream.linear.scatter [tilespmem:s9], [sflag:$0x3], $0x2800, $0x38;
	[tilespmem:$0x72C0] =	vst v63  }
0x55: {  	_ =	swait.ge [sflag:s6], $0x2800  }
0x56: {  	[sflag:s6] =	ssyncset.done $0x0  }
0x57: {  	s26 =	simm.s32 $0x280;
	[sflag:s6] =	ssyncadd.s32 $0xFFFFD800  }
0x58: {  	[tilespmem:s8], [sflag:$0x1] =	stream.indirect.gather [spmem:s1], $0x80, s26, s7, $0xb8;
	[tilespmem:$0x72C0] =	vst v63  }
0x59: {  	s28 =	simm.s32 $0x2D0  }
0x5a: {  	[tilespmem:s9], [sflag:$0x2] =	stream.indirect.gather [spmem:s1], $0x80, s28, s7, $0xb8;
	[tilespmem:$0x72C0] =	vst v63  }
0x5b: {  	s30 =	ssub.s32 $0x2, s30;
	_ =	swait.ge [sflag:s10], $0x2800  }
0x5c: {  	s31 =	sshrl.u32 s30, $0x1;
	[sflag:s10] =	ssyncset.done $0x0  }
0x5d: {  	s30 =	ssub.s32 s30, s31;
	s29 =	sadd.s32 $0x2800, s11;
	[sflag:s10] =	ssyncadd.s32 $0xFFFFD800  }
0x5e: {  	[hbm4b:s29+s2] =	stream.linear.scatter [tilespmem:s8], [sflag:$0x3], $0x2800, $0x38;
	[tilespmem:$0x72C0] =	vst v63  }
0x5f: {  	s30 =	smax.u32 s30, $0x1;
	_ =	swait.ge [sflag:s6], $0x2800  }
0x60: {  	s30 =	sadd.s32 $0xFFFFFFFF, s30;
	[sflag:s6] =	ssyncset.done $0x0  }
0x61: {  	p1 =	sne.s32 s30, $0x0;
	[sflag:s6] =	ssyncadd.s32 $0xFFFFD800  }
.Ltmp0:
0x62: {  	_ =	swait.ge [sflag:s12], $0x2800;
	(pc) =	sbr.rel @!p1 .LBB2_2-.Ltmp0, $4  }
0x63: {  	[sflag:s12] =	ssyncset.done $0x0  }
0x64: {  	s31 =	sadd.s32 $0x2D00, s11;
	[sflag:s12] =	ssyncadd.s32 $0xFFFFD800  }
0x65: {  	[hbm4b:s31+s2] =	stream.linear.scatter [tilespmem:s9], [sflag:$0x3], $0x2800, $0x38;
	[tilespmem:$0x72C0] =	vst v63  }
0x66: {  	_ =	swait.ge [sflag:s6], $0x2800  }
.LBB2_1:
0x67: {  	[sflag:s6] =	ssyncset.done $0x0  }
0x68: {  	s0 =	rddreg [dreg:$0x5];
	[sflag:s6] =	ssyncadd.s32 $0xFFFFD800  }
0x69: {  	[spmem:s3], [sflag:s4] =	dma.local @!p0 [hbm:s0], $0x3E80  }
0x6a: {  	_ =	swait.ge @!p0 [sflag:s5], $0x3E80  }
0x6b: {  	[sflag:s5] =	ssyncset.done @!p0 $0x0  }
0x6c: {  	s0 =	rddreg [dreg:$0x6];
	[sflag:s5] =	ssyncadd.s32 @!p0 $0xFFFFC180  }
0x6d: {  	[tilespmem:s2], [sflag:$0x3] =	stream.linear.gather [hbm4b:s0+s2], $0x320, $0x38;
	[tilespmem:$0x72C0] =	vst v63  }
0x6e: {  	_ =	swait.ge [sflag:s6], $0x320  }
0x6f: {  	[sflag:s6] =	ssyncset.done $0x0  }
0x70: {  	[sflag:s6] =	ssyncadd.s32 $0xFFFFFCE0  }
0x71: {  	[bflag:$0x0] =	sbarrier.arrive $0xFFFF  }
0x72: {  	[tilespmem:s8], [sflag:$0x1] =	stream.indirect.gather [spmem:s1], $0x80, s2, s7, $0xb8;
	[tilespmem:$0x72C0] =	vst v63  }
0x73: {  	_ = 	snop  }
0x74: {  	[tilespmem:s9], [sflag:$0x2] =	stream.indirect.gather [spmem:s1], $0x80, s7, s7, $0xb8;
	[tilespmem:$0x72C0] =	vst v63  }
0x75: {  	_ =	swait.ge [sflag:s10], $0x2800  }
0x76: {  	[sflag:s10] =	ssyncset.done $0x0  }
0x77: {  	[sflag:s10] =	ssyncadd.s32 $0xFFFFD800  }
0x78: {  	[hbm4b:s11+s2] =	stream.linear.scatter [tilespmem:s8], [sflag:$0x3], $0x2800, $0x38;
	[tilespmem:$0x72C0] =	vst v63  }
0x79: {  	_ =	swait.ge [sflag:s6], $0x2800  }
0x7a: {  	[sflag:s6] =	ssyncset.done $0x0  }
0x7b: {  	[sflag:s6] =	ssyncadd.s32 $0xFFFFD800  }
0x7c: {  	_ =	swait.ge [sflag:s12], $0x2800  }
0x7d: {  	[sflag:s12] =	ssyncset.done $0x0  }
0x7e: {  	[sflag:s12] =	ssyncadd.s32 $0xFFFFD800  }
0x7f: {  	[hbm4b:s13+s2] =	stream.linear.scatter [tilespmem:s9], [sflag:$0x3], $0x2800, $0x38;
	[tilespmem:$0x72C0] =	vst v63  }
0x80: {  	_ =	swait.ge [sflag:s6], $0x2800  }
0x81: {  	[sflag:s6] =	ssyncset.done $0x0  }
0x82: {  	[sflag:s6] =	ssyncadd.s32 $0xFFFFD800  }
0x83: {  	[tilespmem:s8], [sflag:$0x1] =	stream.indirect.gather [spmem:s1], $0x80, s14, s7, $0xb8;
	[tilespmem:$0x72C0] =	vst v63  }
0x84: {  	_ = 	snop  }
0x85: {  	[tilespmem:s9], [sflag:$0x2] =	stream.indirect.gather [spmem:s1], $0x80, s15, s7, $0xb8;
	[tilespmem:$0x72C0] =	vst v63  }
0x86: {  	_ =	swait.ge [sflag:s10], $0x2800  }
0x87: {  	[sflag:s10] =	ssyncset.done $0x0  }
0x88: {  	[sflag:s10] =	ssyncadd.s32 $0xFFFFD800  }
0x89: {  	[hbm4b:s16+s2] =	stream.linear.scatter [tilespmem:s8], [sflag:$0x3], $0x2800, $0x38;
	[tilespmem:$0x72C0] =	vst v63  }
0x8a: {  	_ =	swait.ge [sflag:s6], $0x2800  }
0x8b: {  	[sflag:s6] =	ssyncset.done $0x0  }
0x8c: {  	[sflag:s6] =	ssyncadd.s32 $0xFFFFD800  }
0x8d: {  	_ =	swait.ge [sflag:s12], $0x2800  }
0x8e: {  	[sflag:s12] =	ssyncset.done $0x0  }
0x8f: {  	[sflag:s12] =	ssyncadd.s32 $0xFFFFD800  }
0x90: {  	[hbm4b:s17+s2] =	stream.linear.scatter [tilespmem:s9], [sflag:$0x3], $0x2800, $0x38;
	[tilespmem:$0x72C0] =	vst v63  }
0x91: {  	_ =	swait.ge [sflag:s6], $0x2800  }
0x92: {  	[sflag:s6] =	ssyncset.done $0x0  }
0x93: {  	[sflag:s6] =	ssyncadd.s32 $0xFFFFD800  }
0x94: {  	[tilespmem:s8], [sflag:$0x1] =	stream.indirect.gather [spmem:s1], $0x80, s18, s7, $0xb8;
	[tilespmem:$0x72C0] =	vst v63  }
0x95: {  	_ = 	snop  }
0x96: {  	[tilespmem:s9], [sflag:$0x2] =	stream.indirect.gather [spmem:s1], $0x80, s19, s7, $0xb8;
	[tilespmem:$0x72C0] =	vst v63  }
0x97: {  	_ =	swait.ge [sflag:s10], $0x2800  }
0x98: {  	[sflag:s10] =	ssyncset.done $0x0  }
0x99: {  	[sflag:s10] =	ssyncadd.s32 $0xFFFFD800  }
0x9a: {  	[hbm4b:s20+s2] =	stream.linear.scatter [tilespmem:s8], [sflag:$0x3], $0x2800, $0x38;
	[tilespmem:$0x72C0] =	vst v63  }
0x9b: {  	_ =	swait.ge [sflag:s6], $0x2800  }
0x9c: {  	[sflag:s6] =	ssyncset.done $0x0  }
0x9d: {  	[sflag:s6] =	ssyncadd.s32 $0xFFFFD800  }
0x9e: {  	_ =	swait.ge [sflag:s12], $0x2800  }
0x9f: {  	[sflag:s12] =	ssyncset.done $0x0  }
0xa0: {  	[sflag:s12] =	ssyncadd.s32 $0xFFFFD800  }
0xa1: {  	[hbm4b:s21+s2] =	stream.linear.scatter [tilespmem:s9], [sflag:$0x3], $0x2800, $0x38;
	[tilespmem:$0x72C0] =	vst v63  }
0xa2: {  	_ =	swait.ge [sflag:s6], $0x2800  }
0xa3: {  	[sflag:s6] =	ssyncset.done $0x0  }
0xa4: {  	[sflag:s6] =	ssyncadd.s32 $0xFFFFD800  }
0xa5: {  	[tilespmem:s8], [sflag:$0x1] =	stream.indirect.gather [spmem:s1], $0x80, s22, s7, $0xb8;
	[tilespmem:$0x72C0] =	vst v63  }
0xa6: {  	_ = 	snop  }
0xa7: {  	[tilespmem:s9], [sflag:$0x2] =	stream.indirect.gather [spmem:s1], $0x80, s23, s7, $0xb8;
	[tilespmem:$0x72C0] =	vst v63  }
0xa8: {  	_ =	swait.ge [sflag:s10], $0x2800  }
0xa9: {  	[sflag:s10] =	ssyncset.done $0x0  }
0xaa: {  	[sflag:s10] =	ssyncadd.s32 $0xFFFFD800  }
0xab: {  	[hbm4b:s24+s2] =	stream.linear.scatter [tilespmem:s8], [sflag:$0x3], $0x2800, $0x38;
	[tilespmem:$0x72C0] =	vst v63  }
0xac: {  	_ =	swait.ge [sflag:s6], $0x2800  }
0xad: {  	[sflag:s6] =	ssyncset.done $0x0  }
0xae: {  	[sflag:s6] =	ssyncadd.s32 $0xFFFFD800  }
0xaf: {  	_ =	swait.ge [sflag:s12], $0x2800  }
0xb0: {  	[sflag:s12] =	ssyncset.done $0x0  }
0xb1: {  	[sflag:s12] =	ssyncadd.s32 $0xFFFFD800  }
0xb2: {  	[hbm4b:s25+s2] =	stream.linear.scatter [tilespmem:s9], [sflag:$0x3], $0x2800, $0x38;
	[tilespmem:$0x72C0] =	vst v63  }
0xb3: {  	_ =	swait.ge [sflag:s6], $0x2800  }
0xb4: {  	[sflag:s6] =	ssyncset.done $0x0  }
0xb5: {  	[sflag:s6] =	ssyncadd.s32 $0xFFFFD800  }
0xb6: {  	[tilespmem:s8], [sflag:$0x1] =	stream.indirect.gather [spmem:s1], $0x80, s26, s7, $0xb8;
	[tilespmem:$0x72C0] =	vst v63  }
0xb7: {  	_ = 	snop  }
0xb8: {  	[tilespmem:s9], [sflag:$0x2] =	stream.indirect.gather [spmem:s1], $0x80, s28, s7, $0xb8;
	[tilespmem:$0x72C0] =	vst v63  }
0xb9: {  	_ =	swait.ge [sflag:s10], $0x2800  }
0xba: {  	[sflag:s10] =	ssyncset.done $0x0  }
0xbb: {  	[sflag:s10] =	ssyncadd.s32 $0xFFFFD800  }
0xbc: {  	[hbm4b:s29+s2] =	stream.linear.scatter [tilespmem:s8], [sflag:$0x3], $0x2800, $0x38;
	[tilespmem:$0x72C0] =	vst v63  }
0xbd: {  	_ =	swait.ge [sflag:s6], $0x2800  }
0xbe: {  	s30 =	sadd.s32 $0xFFFFFFFF, s30;
	[sflag:s6] =	ssyncset.done $0x0  }
0xbf: {  	p1 =	sne.s32 s30, $0x0;
	[sflag:s6] =	ssyncadd.s32 $0xFFFFD800  }
.Ltmp1:
0xc0: {  	_ =	swait.ge [sflag:s12], $0x2800;
	(pc) =	sbr.rel @p1 .LBB2_1-.Ltmp1, $4  }
0xc1: {  	[sflag:s12] =	ssyncset.done $0x0  }
0xc2: {  	[sflag:s12] =	ssyncadd.s32 $0xFFFFD800  }
0xc3: {  	[hbm4b:s31+s2] =	stream.linear.scatter [tilespmem:s9], [sflag:$0x3], $0x2800, $0x38;
	[tilespmem:$0x72C0] =	vst v63  }
0xc4: {  	_ =	swait.ge [sflag:s6], $0x2800  }
.LBB2_2:
0xc5: {  	[sflag:s6] =	ssyncset.done $0x0  }
0xc6: {  	[sflag:s6] =	ssyncadd.s32 $0xFFFFD800  }
0xc7: {  	_ =	sfence.sel $0x180000  }
0xc8: {  	[bflag:$0x0] =	sbarrier.arrive $0xFFFF  }
0xc9: {  	_ =	strace $0x9000004A  }
0xca: {  	[bflag:$0x2] =	sbarrier.arrive $0xFFFF  }
0xcb: {  	s0 =	rddreg [dreg:$0x4]  }
0xcc: {  	s0 =	sadd.s32 @!p0 $0x100000, s0  }
0xcd: {  	[sflag:s0] =	ssyncadd.tile.s32 @!p0 $0x1;
	_ =	shalt  }
.Lfunc_end2:
_tile_overlayer_lowered:
.L_overlay_start_2:
0xce: {  	(tag) =	ssettag $0x2  }
0xcf: {  	s0 =	rddreg [dreg:$0x0];
	s2 =	stileid.u32  }
0xd0: {  	s1 =	rddreg [dreg:$0x1];
	p0 =	sne.s32 s2, $0x0  }
0xd1: {  	s3 =	rddreg [dreg:$0x2];
	[bflag:$0x3] =	sbarrier.arrive $0xFFFF;
	s2 =	simm.s32 @!p0 $0x1C03  }
0xd2: {  	[timem:s3], [sflag:s2] =	dma.local @!p0 [hbm:s0], s1  }
0xd3: {  	s0 =	simm.s32 @!p0 $0x3  }
0xd4: {  	_ =	swait.ge @!p0 [sflag:s0], s1  }
0xd5: {  	s1 =	ssub.s32 @!p0 $0x0, s1;
	[sflag:s0] =	ssyncset.done @!p0 $0x0  }
0xd6: {  	[sflag:s0] =	ssyncadd.s32 @!p0 s1  }
0xd7: {  	[bflag:$0x3] =	sbarrier.arrive $0xFFFF  }
0xd8: {  	_ =	shalt  }

</sc_bundles>
